<compile_context>
chip_gen: v7x
topology: tpu7x:2x2x1
jax: 0.10.2.dev20260603
libtpu: 0.0.44.dev20260713+nightly
codegen_flags: <defaults>
</compile_context>

<pallas_src>
import functools

import jax
import jax.numpy as jnp
from jax import lax
from jax.experimental import pallas as pl
from jax.experimental.pallas import tpu as pltpu
from jax.experimental.pallas import tpu_sc as plsc

C = 128
NUM_CORES = 2
NUM_SUBCORES = 16
NW = NUM_CORES * NUM_SUBCORES
UNROLL = 4


def _transform_kernel(x_ref, w_ref, o_ref):
    o_ref[...] = lax.dot_general(
        x_ref[...], w_ref[0],
        dimension_numbers=(((1,), (1,)), ((), ())),
        preferred_element_type=jnp.float32,
    )


def _gidx_kernel(n_nodes, src_ref, et_ref, o_ref):
    o_ref[...] = et_ref[...] * n_nodes + src_ref[...]


def _combine_kernel(p0_ref, p1_ref, b_ref, o_ref):
    o_ref[...] = p0_ref[0] + p1_ref[0] + b_ref[...]


def _sc_body(t0_per_sub, t1_per_sub, rows_per_sub,
             h_ref, gd_ref, out_ref,
             idx0, idx1, idx2, idx3, rows0, rows1, acc,
             isem0, isem1, isem2, isem3, gsem0, gsem1, ssem0, ssem1):
    c = lax.axis_index("c")
    s = lax.axis_index("s")
    row0 = s * rows_per_sub
    t_per_sub = jnp.where(c == 0, t0_per_sub, t1_per_sub)
    base = c * NUM_SUBCORES * t0_per_sub + s * t_per_sub

    idxs = [idx0, idx1, idx2, idx3]
    isems = [isem0, isem1, isem2, isem3]
    rows = [rows0, rows1]
    gsems = [gsem0, gsem1]
    ssems = [ssem0, ssem1]

    @pl.loop(0, C)
    def _(i):
        for m in range(8):
            rows0[i, pl.ds(m * 16, 16)] = jnp.zeros((16,), jnp.float32)

    zoffs = list(range(0, rows_per_sub, C))
    zcps = [pltpu.async_copy(
                rows0.at[pl.ds(0, min(C, rows_per_sub - o))],
                acc.at[pl.ds(row0 + o, min(C, rows_per_sub - o))],
                isems[i % 4])
            for i, o in enumerate(zoffs)]
    for cp in zcps:
        cp.wait()
    plsc.subcore_barrier()

    def start_load(t, q):
        pltpu.async_copy(gd_ref.at[base + t], idxs[q], isems[q])

    def wait_load(q):
        pltpu.make_async_copy(gd_ref.at[base], idxs[q], isems[q]).wait()

    def start_gather(q, b):
        pltpu.async_copy(h_ref.at[idxs[q].at[0]], rows[b], gsems[b])

    def wait_gather(q, b):
        pltpu.make_async_copy(h_ref.at[idxs[q].at[0]], rows[b],
                              gsems[b]).wait()

    def start_scatter(q, b):
        pltpu.async_copy(rows[b], acc.at[idxs[q].at[1]], ssems[b], add=True)

    def wait_scatter(q, b):
        pltpu.make_async_copy(rows[b], acc.at[idxs[q].at[1]],
                              ssems[b]).wait()

    def steady(t, q):
        b = q % 2
        wait_load(q)
        wait_scatter((q + 2) % 4, b)
        start_gather(q, b)
        start_load(t + 2, (q + 2) % 4)
        wait_gather((q + 3) % 4, b ^ 1)
        start_scatter((q + 3) % 4, b ^ 1)

    _sc_pipeline(t_per_sub, start_load, wait_load, start_gather,
                 wait_gather, start_scatter, wait_scatter, steady)

    plsc.subcore_barrier()
    wb = -(-rows_per_sub // 64) * 8
    offs = list(range(0, rows_per_sub, wb))
    cps = [pltpu.async_copy(
               acc.at[pl.ds(row0 + o, min(wb, rows_per_sub - o))],
               out_ref.at[c, pl.ds(row0 + o, min(wb, rows_per_sub - o))],
               isems[i % 4])
           for i, o in enumerate(offs)]
    for cp in cps:
        cp.wait()


def _sc_pipeline(t_per_sub, start_load, wait_load, start_gather, wait_gather,
                 start_scatter, wait_scatter, steady):
    start_load(0, 0)
    start_load(1, 1)
    wait_load(0)
    start_gather(0, 0)
    start_load(2, 2)
    wait_load(1)
    start_gather(1, 1)
    start_load(3, 3)
    wait_gather(0, 0)
    start_scatter(0, 0)
    wait_load(2)
    wait_scatter(0, 0)
    start_gather(2, 0)
    start_load(4, 0)
    wait_gather(1, 1)
    start_scatter(1, 1)

    wait_load(3)
    wait_scatter(1, 1)
    start_gather(3, 1)
    start_load(5, 1)
    wait_gather(2, 0)
    start_scatter(2, 0)

    @pl.loop(1, t_per_sub // UNROLL)
    def _(j):
        t0 = j * UNROLL
        steady(t0 + 0, 0)
        steady(t0 + 1, 1)
        steady(t0 + 2, 2)
        steady(t0 + 3, 3)

    last_q = 3
    last_b = 1
    wait_gather(last_q, last_b)
    start_scatter(last_q, last_b)
    wait_scatter((last_q + 3) % 4, last_b ^ 1)
    wait_scatter(last_q, last_b)
    wait_load(0)
    wait_load(1)


def kernel(node_features, node_repr, edge_index, edge_types, num_relations,
           weight, bias):
    del node_features, num_relations
    n = node_repr.shape[0]
    d_in = node_repr.shape[1]
    r = weight.shape[0]
    d_out = weight.shape[1]
    e = edge_types.shape[0]

    bn = 1000
    assert n % bn == 0
    h_all = pl.pallas_call(
        _transform_kernel,
        grid=(r, n // bn),
        in_specs=[
            pl.BlockSpec((bn, d_in), lambda ri, ni: (ni, 0)),
            pl.BlockSpec((1, d_out, d_in), lambda ri, ni: (ri, 0, 0)),
        ],
        out_specs=pl.BlockSpec((bn, d_out), lambda ri, ni: (ri * (n // bn) + ni, 0)),
        out_shape=jax.ShapeDtypeStruct((r * n, d_out), jnp.float32),
    )(node_repr, weight)

    chunks_total = -(-e // (C * NW * UNROLL)) * NW * UNROLL
    e_pad = chunks_total * C
    pad = e_pad - e
    src_p = jnp.concatenate(
        [edge_index[0], jnp.zeros((pad,), jnp.int32)]).reshape(chunks_total, C)
    et_p = jnp.concatenate(
        [edge_types, jnp.zeros((pad,), jnp.int32)]).reshape(chunks_total, C)
    dst_p = jnp.concatenate(
        [edge_index[1], jnp.full((pad,), n, jnp.int32)]).reshape(chunks_total, C)

    bc = chunks_total // 10
    g_p = pl.pallas_call(
        functools.partial(_gidx_kernel, n),
        grid=(10,),
        in_specs=[
            pl.BlockSpec((bc, C), lambda i: (i, 0)),
            pl.BlockSpec((bc, C), lambda i: (i, 0)),
        ],
        out_specs=pl.BlockSpec((bc, C), lambda i: (i, 0)),
        out_shape=jax.ShapeDtypeStruct((chunks_total, C), jnp.int32),
    )(src_p, et_p)

    gd = jnp.concatenate(
        [jnp.stack([g_p, dst_p], axis=1),
         jnp.zeros((2, 2, C), jnp.int32)], axis=0)

    t_all = chunks_total // NUM_SUBCORES
    t0_per_sub = t_all - 8
    t1_per_sub = t_all - t0_per_sub
    assert t0_per_sub % UNROLL == 0 and t1_per_sub % UNROLL == 0
    assert t0_per_sub >= 2 * UNROLL and t1_per_sub >= 2 * UNROLL
    rows_per_sub = -(-(n + 1) // (NUM_SUBCORES * 8)) * 8
    n_pad = rows_per_sub * NUM_SUBCORES

    mesh = plsc.VectorSubcoreMesh(core_axis_name="c", subcore_axis_name="s")
    sc_kernel = pl.kernel(
        functools.partial(_sc_body, t0_per_sub, t1_per_sub, rows_per_sub),
        out_type=jax.ShapeDtypeStruct((NUM_CORES, n_pad, d_out), jnp.float32),
        mesh=mesh,
        scratch_types=[
            pltpu.VMEM((2, C), jnp.int32),
            pltpu.VMEM((2, C), jnp.int32),
            pltpu.VMEM((2, C), jnp.int32),
            pltpu.VMEM((2, C), jnp.int32),
            pltpu.VMEM((C, 128), jnp.float32),
            pltpu.VMEM((C, 128), jnp.float32),
            pltpu.VMEM_SHARED((n_pad, 128), jnp.float32),
            pltpu.SemaphoreType.DMA,
            pltpu.SemaphoreType.DMA,
            pltpu.SemaphoreType.DMA,
            pltpu.SemaphoreType.DMA,
            pltpu.SemaphoreType.DMA,
            pltpu.SemaphoreType.DMA,
            pltpu.SemaphoreType.DMA,
            pltpu.SemaphoreType.DMA,
        ],
    )
    partials = sc_kernel(h_all, gd)

    out = pl.pallas_call(
        _combine_kernel,
        grid=(n // bn,),
        in_specs=[
            pl.BlockSpec((1, bn, d_out), lambda i: (0, i, 0)),
            pl.BlockSpec((1, bn, d_out), lambda i: (1, i, 0)),
            pl.BlockSpec((1, d_out), lambda i: (0, 0)),
        ],
        out_specs=pl.BlockSpec((bn, d_out), lambda i: (i, 0)),
        out_shape=jax.ShapeDtypeStruct((n, d_out), jnp.float32),
    )(partials, partials, bias.reshape(1, d_out))

    return out

# --- scband reference (transcript-rebuilt; emitter-appended) ---
"""Pipeline reference for scband-rel-graph-conv-layer-49392123904721 (READ-ONLY COPY).

The authoritative reference and input builder live on the scoring server;
editing this copy changes nothing except your own understanding.
"""

import jax, jax.numpy as jnp
import numpy as np

N = 10000
E = 320000
D_IN = 128
D_OUT = 128
R = 8

def setup_inputs(seed: int = 0) -> dict:
    key = jax.random.key(seed)
    k1, k2, k3, k4, k5 = jax.random.split(key, 5)
    node_features = jax.random.normal(k1, (N, D_IN), dtype=jnp.float32)
    node_repr = jax.random.normal(k2, (N, D_IN), dtype=jnp.float32)
    edge_index = jax.random.randint(k3, (2, E), 0, N, dtype=jnp.int32)
    edge_types = jax.random.randint(k4, (E,), 0, R, dtype=jnp.int32)
    # xavier_uniform_ on weight [R, out_dim, in_dim]: fan_in=in_dim, fan_out=out_dim (per-relation 2D slices share init stats)
    bound = float(np.sqrt(6.0 / (D_IN + D_OUT)))
    weight = jax.random.uniform(k5, (R, D_OUT, D_IN), dtype=jnp.float32, minval=-bound, maxval=bound)
    bias = jnp.zeros((D_OUT,), dtype=jnp.float32)
    return {
        "node_features": node_features,
        "node_repr": node_repr,
        "edge_index": edge_index,
        "edge_types": edge_types,
        "num_relations": R,
        "weight": weight,
        "bias": bias,
    }

def reference(node_features, node_repr, edge_index, edge_types, num_relations, weight, bias):
    # Faithful to torch: for each relation r, transformed = node_repr[src_r] @ W[r].T,
    # then index_add into messages at dst_r. Equivalent vectorized form:
    # precompute per-relation transformed node states h_all[r] = node_repr @ W[r].T,
    # gather per edge via (edge_type, src), scatter-add into dst.
    src = edge_index[0]
    dst = edge_index[1]
    h_all = jnp.einsum('rij,nj->rni', weight, node_repr)  # [R, N, out_dim]
    msg = h_all[edge_types, src]                          # [E, out_dim] gather
    messages = jnp.zeros((node_repr.shape[0], weight.shape[1]), dtype=node_repr.dtype)
    messages = messages.at[dst].add(msg)                  # scatter-add (index_add_)
    messages = messages + bias
    return messages

if __name__ == "__main__":
    import jax
    _d = setup_inputs()
    print(jax.jit(kernel)(*tuple(_d.values())))

</pallas_src>

<mosaic_0001>
#map = affine_map<(d0, d1) -> (0, 0)>
#map1 = affine_map<(d0, d1) -> (0, 0, 0)>
module attributes {stable_mosaic.version = 14 : i64} {
  func.func @_sc_body(%arg0: i32, %arg1: i32, %arg2: memref<80000x128xf32, #tpu.memory_space<hbm>>, %arg3: memref<2562x2x128xi32, #tpu.memory_space<hbm>>, %arg4: memref<2x10112x128xf32, #tpu.memory_space<hbm>>, %arg5: memref<2x128xi32, #tpu.memory_space<vmem>>, %arg6: memref<2x128xi32, #tpu.memory_space<vmem>>, %arg7: memref<2x128xi32, #tpu.memory_space<vmem>>, %arg8: memref<2x128xi32, #tpu.memory_space<vmem>>, %arg9: memref<128x128xf32, #tpu.memory_space<vmem>>, %arg10: memref<128x128xf32, #tpu.memory_space<vmem>>, %arg11: memref<10112x128xf32, #tpu.memory_space<vmem_shared>>, %arg12: memref<!tpu.dma_semaphore, #tpu.memory_space<semaphore_mem>>, %arg13: memref<!tpu.dma_semaphore, #tpu.memory_space<semaphore_mem>>, %arg14: memref<!tpu.dma_semaphore, #tpu.memory_space<semaphore_mem>>, %arg15: memref<!tpu.dma_semaphore, #tpu.memory_space<semaphore_mem>>, %arg16: memref<!tpu.dma_semaphore, #tpu.memory_space<semaphore_mem>>, %arg17: memref<!tpu.dma_semaphore, #tpu.memory_space<semaphore_mem>>, %arg18: memref<!tpu.dma_semaphore, #tpu.memory_space<semaphore_mem>>, %arg19: memref<!tpu.dma_semaphore, #tpu.memory_space<semaphore_mem>>) attributes {dimension_semantics = [#tpu.dimension_semantics<core_parallel>, #tpu.dimension_semantics<subcore_parallel>], iteration_bounds = array<i64: 2, 16>, scalar_prefetch = 0 : i64, scratch_operands = 15 : i64, tpu.core_type = #tpu.core_type<sc_vector_subcore>, window_params = [{transform_indices = #map}, {transform_indices = #map1}, {transform_indices = #map1}]} {
    %mul3A = arith.constant 632 : i32
    %mul3A_0 = arith.muli %arg1, %mul3A : i32
    %eq3A = arith.constant 0 : i32
    %eq3A_1 = arith.cmpi eq, %arg0, %eq3A : i32
    %jit3A = arith.constant 152 : i32
    %jit3A_2 = arith.constant 8 : i32
    %select_n3A = arith.select %eq3A_1, %jit3A, %jit3A_2 : i32
    %mul3A_3 = arith.constant 16 : i32
    %mul3A_4 = arith.muli %arg0, %mul3A_3 : i32
    %mul3A_5 = arith.constant 152 : i32
    %mul3A_6 = arith.muli %mul3A_4, %mul3A_5 : i32
    %mul3A_7 = arith.muli %arg1, %select_n3A : i32
    %add3A = arith.addi %mul3A_6, %mul3A_7 : i32
    %scan3A = arith.constant 0 : i32
    %scan3A_8 = arith.constant 128 : i32
    %scan3A_9 = arith.addi %scan3A, %scan3A_8 : i32
    %scan3A_10 = arith.constant 1 : i32
    scf.for %scan3A_489 = %scan3A to %scan3A_9 step %scan3A_10  : i32 {
      %mul3A_490 = arith.constant 1 : i32
      %mul3A_491 = arith.muli %scan3A_489, %mul3A_490 : i32
      %add3A_492 = arith.constant 0 : i32
      %add3A_493 = arith.addi %add3A_492, %mul3A_491 : i32
      %broadcast_in_dim3A = arith.constant 0.000000e+00 : f32
      %broadcast_in_dim3A_494 = vector.broadcast %broadcast_in_dim3A : f32 to vector<16xf32>
      %swap3A = arith.index_cast %add3A_493 : i32 to index
      %swap3A_495 = arith.constant 0 : index
      %swap3A_496 = tpu.vector_load %arg9[%swap3A, %swap3A_495] {strides = array<i32>} : memref<128x128xf32, #tpu.memory_space<vmem>>, vector<1x16xf32>,
      %swap3A_497 = vector.shape_cast %swap3A_496 : vector<1x16xf32> to vector<16xf32>
      %swap3A_498 = vector.shape_cast %broadcast_in_dim3A_494 : vector<16xf32> to vector<1x16xf32>
      tpu.vector_store %arg9[%swap3A, %swap3A_495], %swap3A_498 {strides = array<i32>} : memref<128x128xf32, #tpu.memory_space<vmem>>, vector<1x16xf32>,
      %broadcast_in_dim3A_499 = arith.constant 0.000000e+00 : f32
      %broadcast_in_dim3A_500 = vector.broadcast %broadcast_in_dim3A_499 : f32 to vector<16xf32>
      %swap3A_501 = arith.index_cast %add3A_493 : i32 to index
      %swap3A_502 = arith.constant 16 : index
      %swap3A_503 = tpu.vector_load %arg9[%swap3A_501, %swap3A_502] {strides = array<i32>} : memref<128x128xf32, #tpu.memory_space<vmem>>, vector<1x16xf32>,
      %swap3A_504 = vector.shape_cast %swap3A_503 : vector<1x16xf32> to vector<16xf32>
      %swap3A_505 = vector.shape_cast %broadcast_in_dim3A_500 : vector<16xf32> to vector<1x16xf32>
      tpu.vector_store %arg9[%swap3A_501, %swap3A_502], %swap3A_505 {strides = array<i32>} : memref<128x128xf32, #tpu.memory_space<vmem>>, vector<1x16xf32>,
      %broadcast_in_dim3A_506 = arith.constant 0.000000e+00 : f32
      %broadcast_in_dim3A_507 = vector.broadcast %broadcast_in_dim3A_506 : f32 to vector<16xf32>
      %swap3A_508 = arith.index_cast %add3A_493 : i32 to index
      %swap3A_509 = arith.constant 32 : index
      %swap3A_510 = tpu.vector_load %arg9[%swap3A_508, %swap3A_509] {strides = array<i32>} : memref<128x128xf32, #tpu.memory_space<vmem>>, vector<1x16xf32>,
      %swap3A_511 = vector.shape_cast %swap3A_510 : vector<1x16xf32> to vector<16xf32>
      %swap3A_512 = vector.shape_cast %broadcast_in_dim3A_507 : vector<16xf32> to vector<1x16xf32>
      tpu.vector_store %arg9[%swap3A_508, %swap3A_509], %swap3A_512 {strides = array<i32>} : memref<128x128xf32, #tpu.memory_space<vmem>>, vector<1x16xf32>,
      %broadcast_in_dim3A_513 = arith.constant 0.000000e+00 : f32
      %broadcast_in_dim3A_514 = vector.broadcast %broadcast_in_dim3A_513 : f32 to vector<16xf32>
      %swap3A_515 = arith.index_cast %add3A_493 : i32 to index
      %swap3A_516 = arith.constant 48 : index
      %swap3A_517 = tpu.vector_load %arg9[%swap3A_515, %swap3A_516] {strides = array<i32>} : memref<128x128xf32, #tpu.memory_space<vmem>>, vector<1x16xf32>,
      %swap3A_518 = vector.shape_cast %swap3A_517 : vector<1x16xf32> to vector<16xf32>
      %swap3A_519 = vector.shape_cast %broadcast_in_dim3A_514 : vector<16xf32> to vector<1x16xf32>
      tpu.vector_store %arg9[%swap3A_515, %swap3A_516], %swap3A_519 {strides = array<i32>} : memref<128x128xf32, #tpu.memory_space<vmem>>, vector<1x16xf32>,
      %broadcast_in_dim3A_520 = arith.constant 0.000000e+00 : f32
      %broadcast_in_dim3A_521 = vector.broadcast %broadcast_in_dim3A_520 : f32 to vector<16xf32>
      %swap3A_522 = arith.index_cast %add3A_493 : i32 to index
      %swap3A_523 = arith.constant 64 : index
      %swap3A_524 = tpu.vector_load %arg9[%swap3A_522, %swap3A_523] {strides = array<i32>} : memref<128x128xf32, #tpu.memory_space<vmem>>, vector<1x16xf32>,
      %swap3A_525 = vector.shape_cast %swap3A_524 : vector<1x16xf32> to vector<16xf32>
      %swap3A_526 = vector.shape_cast %broadcast_in_dim3A_521 : vector<16xf32> to vector<1x16xf32>
      tpu.vector_store %arg9[%swap3A_522, %swap3A_523], %swap3A_526 {strides = array<i32>} : memref<128x128xf32, #tpu.memory_space<vmem>>, vector<1x16xf32>,
      %broadcast_in_dim3A_527 = arith.constant 0.000000e+00 : f32
      %broadcast_in_dim3A_528 = vector.broadcast %broadcast_in_dim3A_527 : f32 to vector<16xf32>
      %swap3A_529 = arith.index_cast %add3A_493 : i32 to index
      %swap3A_530 = arith.constant 80 : index
      %swap3A_531 = tpu.vector_load %arg9[%swap3A_529, %swap3A_530] {strides = array<i32>} : memref<128x128xf32, #tpu.memory_space<vmem>>, vector<1x16xf32>,
      %swap3A_532 = vector.shape_cast %swap3A_531 : vector<1x16xf32> to vector<16xf32>
      %swap3A_533 = vector.shape_cast %broadcast_in_dim3A_528 : vector<16xf32> to vector<1x16xf32>
      tpu.vector_store %arg9[%swap3A_529, %swap3A_530], %swap3A_533 {strides = array<i32>} : memref<128x128xf32, #tpu.memory_space<vmem>>, vector<1x16xf32>,
      %broadcast_in_dim3A_534 = arith.constant 0.000000e+00 : f32
      %broadcast_in_dim3A_535 = vector.broadcast %broadcast_in_dim3A_534 : f32 to vector<16xf32>
      %swap3A_536 = arith.index_cast %add3A_493 : i32 to index
      %swap3A_537 = arith.constant 96 : index
      %swap3A_538 = tpu.vector_load %arg9[%swap3A_536, %swap3A_537] {strides = array<i32>} : memref<128x128xf32, #tpu.memory_space<vmem>>, vector<1x16xf32>,
      %swap3A_539 = vector.shape_cast %swap3A_538 : vector<1x16xf32> to vector<16xf32>
      %swap3A_540 = vector.shape_cast %broadcast_in_dim3A_535 : vector<16xf32> to vector<1x16xf32>
      tpu.vector_store %arg9[%swap3A_536, %swap3A_537], %swap3A_540 {strides = array<i32>} : memref<128x128xf32, #tpu.memory_space<vmem>>, vector<1x16xf32>,
      %broadcast_in_dim3A_541 = arith.constant 0.000000e+00 : f32
      %broadcast_in_dim3A_542 = vector.broadcast %broadcast_in_dim3A_541 : f32 to vector<16xf32>
      %swap3A_543 = arith.index_cast %add3A_493 : i32 to index
      %swap3A_544 = arith.constant 112 : index
      %swap3A_545 = tpu.vector_load %arg9[%swap3A_543, %swap3A_544] {strides = array<i32>} : memref<128x128xf32, #tpu.memory_space<vmem>>, vector<1x16xf32>,
      %swap3A_546 = vector.shape_cast %swap3A_545 : vector<1x16xf32> to vector<16xf32>
      %swap3A_547 = vector.shape_cast %broadcast_in_dim3A_542 : vector<16xf32> to vector<1x16xf32>
      tpu.vector_store %arg9[%swap3A_543, %swap3A_544], %swap3A_547 {strides = array<i32>} : memref<128x128xf32, #tpu.memory_space<vmem>>, vector<1x16xf32>,
    }
    %scan3A_11 = arith.constant 128 : i32
    %add3A_12 = arith.constant 0 : i32
    %add3A_13 = arith.addi %mul3A_0, %add3A_12 : i32
    %dma_start3A = arith.constant 0 : i32
    %dma_start3A_14 = arith.constant 0 : i32
    %dma_start3A_15 = tpu.memref_slice %arg9[%dma_start3A, %dma_start3A_14] : memref<128x128xf32, #tpu.memory_space<vmem>> -> memref<128x128xf32, #tpu.memory_space<vmem>>
    %dma_start3A_16 = arith.constant 0 : i32
    %dma_start3A_17 = tpu.memref_slice %arg11[%add3A_13, %dma_start3A_16] : memref<10112x128xf32, #tpu.memory_space<vmem_shared>> -> memref<128x128xf32, #tpu.memory_space<vmem_shared>>
    %dma_start3A_18 = arith.constant 0 : i32
    %dma_start3A_19 = tpu.memref_slice %arg11[%add3A_13, %dma_start3A_18] : memref<10112x128xf32, #tpu.memory_space<vmem_shared>> -> memref<128x128xf32, #tpu.memory_space<vmem_shared>>
    %dma_start3A_20 = arith.constant 0 : i32
    %dma_start3A_21 = arith.constant 0 : i32
    %dma_start3A_22 = tpu.memref_slice %arg9[%dma_start3A_20, %dma_start3A_21] : memref<128x128xf32, #tpu.memory_space<vmem>> -> memref<128x128xf32, #tpu.memory_space<vmem>>
    tpu.enqueue_dma source(%dma_start3A_22 : memref<128x128xf32, #tpu.memory_space<vmem>>) target(%dma_start3A_19 : memref<128x128xf32, #tpu.memory_space<vmem_shared>>) target_semaphore(%arg12 : memref<!tpu.dma_semaphore, #tpu.memory_space<semaphore_mem>>)
    %add3A_23 = arith.constant 128 : i32
    %add3A_24 = arith.addi %mul3A_0, %add3A_23 : i32
    %dma_start3A_25 = arith.constant 0 : i32
    %dma_start3A_26 = arith.constant 0 : i32
    %dma_start3A_27 = tpu.memref_slice %arg9[%dma_start3A_25, %dma_start3A_26] : memref<128x128xf32, #tpu.memory_space<vmem>> -> memref<128x128xf32, #tpu.memory_space<vmem>>
    %dma_start3A_28 = arith.constant 0 : i32
    %dma_start3A_29 = tpu.memref_slice %arg11[%add3A_24, %dma_start3A_28] : memref<10112x128xf32, #tpu.memory_space<vmem_shared>> -> memref<128x128xf32, #tpu.memory_space<vmem_shared>>
    %dma_start3A_30 = arith.constant 0 : i32
    %dma_start3A_31 = tpu.memref_slice %arg11[%add3A_24, %dma_start3A_30] : memref<10112x128xf32, #tpu.memory_space<vmem_shared>> -> memref<128x128xf32, #tpu.memory_space<vmem_shared>>
    %dma_start3A_32 = arith.constant 0 : i32
    %dma_start3A_33 = arith.constant 0 : i32
    %dma_start3A_34 = tpu.memref_slice %arg9[%dma_start3A_32, %dma_start3A_33] : memref<128x128xf32, #tpu.memory_space<vmem>> -> memref<128x128xf32, #tpu.memory_space<vmem>>
    tpu.enqueue_dma source(%dma_start3A_34 : memref<128x128xf32, #tpu.memory_space<vmem>>) target(%dma_start3A_31 : memref<128x128xf32, #tpu.memory_space<vmem_shared>>) target_semaphore(%arg13 : memref<!tpu.dma_semaphore, #tpu.memory_space<semaphore_mem>>)
    %add3A_35 = arith.constant 256 : i32
    %add3A_36 = arith.addi %mul3A_0, %add3A_35 : i32
    %dma_start3A_37 = arith.constant 0 : i32
    %dma_start3A_38 = arith.constant 0 : i32
    %dma_start3A_39 = tpu.memref_slice %arg9[%dma_start3A_37, %dma_start3A_38] : memref<128x128xf32, #tpu.memory_space<vmem>> -> memref<128x128xf32, #tpu.memory_space<vmem>>
    %dma_start3A_40 = arith.constant 0 : i32
    %dma_start3A_41 = tpu.memref_slice %arg11[%add3A_36, %dma_start3A_40] : memref<10112x128xf32, #tpu.memory_space<vmem_shared>> -> memref<128x128xf32, #tpu.memory_space<vmem_shared>>
    %dma_start3A_42 = arith.constant 0 : i32
    %dma_start3A_43 = tpu.memref_slice %arg11[%add3A_36, %dma_start3A_42] : memref<10112x128xf32, #tpu.memory_space<vmem_shared>> -> memref<128x128xf32, #tpu.memory_space<vmem_shared>>
    %dma_start3A_44 = arith.constant 0 : i32
    %dma_start3A_45 = arith.constant 0 : i32
    %dma_start3A_46 = tpu.memref_slice %arg9[%dma_start3A_44, %dma_start3A_45] : memref<128x128xf32, #tpu.memory_space<vmem>> -> memref<128x128xf32, #tpu.memory_space<vmem>>
    tpu.enqueue_dma source(%dma_start3A_46 : memref<128x128xf32, #tpu.memory_space<vmem>>) target(%dma_start3A_43 : memref<128x128xf32, #tpu.memory_space<vmem_shared>>) target_semaphore(%arg14 : memref<!tpu.dma_semaphore, #tpu.memory_space<semaphore_mem>>)
    %add3A_47 = arith.constant 384 : i32
    %add3A_48 = arith.addi %mul3A_0, %add3A_47 : i32
    %dma_start3A_49 = arith.constant 0 : i32
    %dma_start3A_50 = arith.constant 0 : i32
    %dma_start3A_51 = tpu.memref_slice %arg9[%dma_start3A_49, %dma_start3A_50] : memref<128x128xf32, #tpu.memory_space<vmem>> -> memref<128x128xf32, #tpu.memory_space<vmem>>
    %dma_start3A_52 = arith.constant 0 : i32
    %dma_start3A_53 = tpu.memref_slice %arg11[%add3A_48, %dma_start3A_52] : memref<10112x128xf32, #tpu.memory_space<vmem_shared>> -> memref<128x128xf32, #tpu.memory_space<vmem_shared>>
    %dma_start3A_54 = arith.constant 0 : i32
    %dma_start3A_55 = tpu.memref_slice %arg11[%add3A_48, %dma_start3A_54] : memref<10112x128xf32, #tpu.memory_space<vmem_shared>> -> memref<128x128xf32, #tpu.memory_space<vmem_shared>>
    %dma_start3A_56 = arith.constant 0 : i32
    %dma_start3A_57 = arith.constant 0 : i32
    %dma_start3A_58 = tpu.memref_slice %arg9[%dma_start3A_56, %dma_start3A_57] : memref<128x128xf32, #tpu.memory_space<vmem>> -> memref<128x128xf32, #tpu.memory_space<vmem>>
    tpu.enqueue_dma source(%dma_start3A_58 : memref<128x128xf32, #tpu.memory_space<vmem>>) target(%dma_start3A_55 : memref<128x128xf32, #tpu.memory_space<vmem_shared>>) target_semaphore(%arg15 : memref<!tpu.dma_semaphore, #tpu.memory_space<semaphore_mem>>)
    %add3A_59 = arith.constant 512 : i32
    %add3A_60 = arith.addi %mul3A_0, %add3A_59 : i32
    %dma_start3A_61 = arith.constant 0 : i32
    %dma_start3A_62 = arith.constant 0 : i32
    %dma_start3A_63 = tpu.memref_slice %arg9[%dma_start3A_61, %dma_start3A_62] : memref<128x128xf32, #tpu.memory_space<vmem>> -> memref<120x128xf32, #tpu.memory_space<vmem>>
    %dma_start3A_64 = arith.constant 0 : i32
    %dma_start3A_65 = tpu.memref_slice %arg11[%add3A_60, %dma_start3A_64] : memref<10112x128xf32, #tpu.memory_space<vmem_shared>> -> memref<120x128xf32, #tpu.memory_space<vmem_shared>>
    %dma_start3A_66 = arith.constant 0 : i32
    %dma_start3A_67 = tpu.memref_slice %arg11[%add3A_60, %dma_start3A_66] : memref<10112x128xf32, #tpu.memory_space<vmem_shared>> -> memref<120x128xf32, #tpu.memory_space<vmem_shared>>
    %dma_start3A_68 = arith.constant 0 : i32
    %dma_start3A_69 = arith.constant 0 : i32
    %dma_start3A_70 = tpu.memref_slice %arg9[%dma_start3A_68, %dma_start3A_69] : memref<128x128xf32, #tpu.memory_space<vmem>> -> memref<120x128xf32, #tpu.memory_space<vmem>>
    tpu.enqueue_dma source(%dma_start3A_70 : memref<120x128xf32, #tpu.memory_space<vmem>>) target(%dma_start3A_67 : memref<120x128xf32, #tpu.memory_space<vmem_shared>>) target_semaphore(%arg12 : memref<!tpu.dma_semaphore, #tpu.memory_space<semaphore_mem>>)
    %dma_wait3A = arith.constant 0 : i32
    %dma_wait3A_71 = arith.constant 0 : i32
    %dma_wait3A_72 = tpu.memref_slice %arg9[%dma_wait3A, %dma_wait3A_71] : memref<128x128xf32, #tpu.memory_space<vmem>> -> memref<128x128xf32, #tpu.memory_space<vmem>>
    %dma_wait3A_73 = arith.constant 0 : i32
    %dma_wait3A_74 = tpu.memref_slice %arg11[%add3A_13, %dma_wait3A_73] : memref<10112x128xf32, #tpu.memory_space<vmem_shared>> -> memref<128x128xf32, #tpu.memory_space<vmem_shared>>
    %dma_wait3A_75 = arith.constant 0 : i32
    %dma_wait3A_76 = tpu.memref_slice %arg11[%add3A_13, %dma_wait3A_75] : memref<10112x128xf32, #tpu.memory_space<vmem_shared>> -> memref<128x128xf32, #tpu.memory_space<vmem_shared>>
    %dma_wait3A_77 = arith.constant 0 : i32
    %dma_wait3A_78 = arith.constant 0 : i32
    %dma_wait3A_79 = tpu.memref_slice %arg9[%dma_wait3A_77, %dma_wait3A_78] : memref<128x128xf32, #tpu.memory_space<vmem>> -> memref<128x128xf32, #tpu.memory_space<vmem>>
    tpu.wait_dma2 semaphore(%arg12 : memref<!tpu.dma_semaphore, #tpu.memory_space<semaphore_mem>>) src(%dma_wait3A_79 : memref<128x128xf32, #tpu.memory_space<vmem>>) dst(%dma_wait3A_76 : memref<128x128xf32, #tpu.memory_space<vmem_shared>>)
    %dma_wait3A_80 = arith.constant 0 : i32
    %dma_wait3A_81 = arith.constant 0 : i32
    %dma_wait3A_82 = tpu.memref_slice %arg9[%dma_wait3A_80, %dma_wait3A_81] : memref<128x128xf32, #tpu.memory_space<vmem>> -> memref<128x128xf32, #tpu.memory_space<vmem>>
    %dma_wait3A_83 = arith.constant 0 : i32
    %dma_wait3A_84 = tpu.memref_slice %arg11[%add3A_24, %dma_wait3A_83] : memref<10112x128xf32, #tpu.memory_space<vmem_shared>> -> memref<128x128xf32, #tpu.memory_space<vmem_shared>>
    %dma_wait3A_85 = arith.constant 0 : i32
    %dma_wait3A_86 = tpu.memref_slice %arg11[%add3A_24, %dma_wait3A_85] : memref<10112x128xf32, #tpu.memory_space<vmem_shared>> -> memref<128x128xf32, #tpu.memory_space<vmem_shared>>
    %dma_wait3A_87 = arith.constant 0 : i32
    %dma_wait3A_88 = arith.constant 0 : i32
    %dma_wait3A_89 = tpu.memref_slice %arg9[%dma_wait3A_87, %dma_wait3A_88] : memref<128x128xf32, #tpu.memory_space<vmem>> -> memref<128x128xf32, #tpu.memory_space<vmem>>
    tpu.wait_dma2 semaphore(%arg13 : memref<!tpu.dma_semaphore, #tpu.memory_space<semaphore_mem>>) src(%dma_wait3A_89 : memref<128x128xf32, #tpu.memory_space<vmem>>) dst(%dma_wait3A_86 : memref<128x128xf32, #tpu.memory_space<vmem_shared>>)
    %dma_wait3A_90 = arith.constant 0 : i32
    %dma_wait3A_91 = arith.constant 0 : i32
    %dma_wait3A_92 = tpu.memref_slice %arg9[%dma_wait3A_90, %dma_wait3A_91] : memref<128x128xf32, #tpu.memory_space<vmem>> -> memref<128x128xf32, #tpu.memory_space<vmem>>
    %dma_wait3A_93 = arith.constant 0 : i32
    %dma_wait3A_94 = tpu.memref_slice %arg11[%add3A_36, %dma_wait3A_93] : memref<10112x128xf32, #tpu.memory_space<vmem_shared>> -> memref<128x128xf32, #tpu.memory_space<vmem_shared>>
    %dma_wait3A_95 = arith.constant 0 : i32
    %dma_wait3A_96 = tpu.memref_slice %arg11[%add3A_36, %dma_wait3A_95] : memref<10112x128xf32, #tpu.memory_space<vmem_shared>> -> memref<128x128xf32, #tpu.memory_space<vmem_shared>>
    %dma_wait3A_97 = arith.constant 0 : i32
    %dma_wait3A_98 = arith.constant 0 : i32
    %dma_wait3A_99 = tpu.memref_slice %arg9[%dma_wait3A_97, %dma_wait3A_98] : memref<128x128xf32, #tpu.memory_space<vmem>> -> memref<128x128xf32, #tpu.memory_space<vmem>>
    tpu.wait_dma2 semaphore(%arg14 : memref<!tpu.dma_semaphore, #tpu.memory_space<semaphore_mem>>) src(%dma_wait3A_99 : memref<128x128xf32, #tpu.memory_space<vmem>>) dst(%dma_wait3A_96 : memref<128x128xf32, #tpu.memory_space<vmem_shared>>)
    %dma_wait3A_100 = arith.constant 0 : i32
    %dma_wait3A_101 = arith.constant 0 : i32
    %dma_wait3A_102 = tpu.memref_slice %arg9[%dma_wait3A_100, %dma_wait3A_101] : memref<128x128xf32, #tpu.memory_space<vmem>> -> memref<128x128xf32, #tpu.memory_space<vmem>>
    %dma_wait3A_103 = arith.constant 0 : i32
    %dma_wait3A_104 = tpu.memref_slice %arg11[%add3A_48, %dma_wait3A_103] : memref<10112x128xf32, #tpu.memory_space<vmem_shared>> -> memref<128x128xf32, #tpu.memory_space<vmem_shared>>
    %dma_wait3A_105 = arith.constant 0 : i32
    %dma_wait3A_106 = tpu.memref_slice %arg11[%add3A_48, %dma_wait3A_105] : memref<10112x128xf32, #tpu.memory_space<vmem_shared>> -> memref<128x128xf32, #tpu.memory_space<vmem_shared>>
    %dma_wait3A_107 = arith.constant 0 : i32
    %dma_wait3A_108 = arith.constant 0 : i32
    %dma_wait3A_109 = tpu.memref_slice %arg9[%dma_wait3A_107, %dma_wait3A_108] : memref<128x128xf32, #tpu.memory_space<vmem>> -> memref<128x128xf32, #tpu.memory_space<vmem>>
    tpu.wait_dma2 semaphore(%arg15 : memref<!tpu.dma_semaphore, #tpu.memory_space<semaphore_mem>>) src(%dma_wait3A_109 : memref<128x128xf32, #tpu.memory_space<vmem>>) dst(%dma_wait3A_106 : memref<128x128xf32, #tpu.memory_space<vmem_shared>>)
    %dma_wait3A_110 = arith.constant 0 : i32
    %dma_wait3A_111 = arith.constant 0 : i32
    %dma_wait3A_112 = tpu.memref_slice %arg9[%dma_wait3A_110, %dma_wait3A_111] : memref<128x128xf32, #tpu.memory_space<vmem>> -> memref<120x128xf32, #tpu.memory_space<vmem>>
    %dma_wait3A_113 = arith.constant 0 : i32
    %dma_wait3A_114 = tpu.memref_slice %arg11[%add3A_60, %dma_wait3A_113] : memref<10112x128xf32, #tpu.memory_space<vmem_shared>> -> memref<120x128xf32, #tpu.memory_space<vmem_shared>>
    %dma_wait3A_115 = arith.constant 0 : i32
    %dma_wait3A_116 = tpu.memref_slice %arg11[%add3A_60, %dma_wait3A_115] : memref<10112x128xf32, #tpu.memory_space<vmem_shared>> -> memref<120x128xf32, #tpu.memory_space<vmem_shared>>
    %dma_wait3A_117 = arith.constant 0 : i32
    %dma_wait3A_118 = arith.constant 0 : i32
    %dma_wait3A_119 = tpu.memref_slice %arg9[%dma_wait3A_117, %dma_wait3A_118] : memref<128x128xf32, #tpu.memory_space<vmem>> -> memref<120x128xf32, #tpu.memory_space<vmem>>
    tpu.wait_dma2 semaphore(%arg12 : memref<!tpu.dma_semaphore, #tpu.memory_space<semaphore_mem>>) src(%dma_wait3A_119 : memref<120x128xf32, #tpu.memory_space<vmem>>) dst(%dma_wait3A_116 : memref<120x128xf32, #tpu.memory_space<vmem_shared>>)
    %barrier3A = arith.constant 0 : index
    tpu.barrier barrier_id(%barrier3A)
    %add3A_120 = arith.constant 0 : i32
    %add3A_121 = arith.addi %add3A, %add3A_120 : i32
    %dma_start3A_122 = arith.constant 0 : i32
    %dma_start3A_123 = arith.constant 0 : i32
    %dma_start3A_124 = tpu.memref_slice %arg3[%add3A_121, %dma_start3A_122, %dma_start3A_123] : memref<2562x2x128xi32, #tpu.memory_space<hbm>> -> memref<1x2x128xi32, #tpu.memory_space<hbm>>
    %dma_start3A_125 = tpu.memref_squeeze %dma_start3A_124 : memref<1x2x128xi32, #tpu.memory_space<hbm>> -> memref<2x128xi32, #tpu.memory_space<hbm>>
    %dma_start3A_126 = arith.constant 0 : i32
    %dma_start3A_127 = arith.constant 0 : i32
    %dma_start3A_128 = tpu.memref_slice %arg3[%add3A_121, %dma_start3A_126, %dma_start3A_127] : memref<2562x2x128xi32, #tpu.memory_space<hbm>> -> memref<1x2x128xi32, #tpu.memory_space<hbm>>
    %dma_start3A_129 = tpu.memref_squeeze %dma_start3A_128 : memref<1x2x128xi32, #tpu.memory_space<hbm>> -> memref<2x128xi32, #tpu.memory_space<hbm>>
    tpu.enqueue_dma source(%dma_start3A_129 : memref<2x128xi32, #tpu.memory_space<hbm>>) target(%arg5 : memref<2x128xi32, #tpu.memory_space<vmem>>) target_semaphore(%arg12 : memref<!tpu.dma_semaphore, #tpu.memory_space<semaphore_mem>>)
    %add3A_130 = arith.constant 1 : i32
    %add3A_131 = arith.addi %add3A, %add3A_130 : i32
    %dma_start3A_132 = arith.constant 0 : i32
    %dma_start3A_133 = arith.constant 0 : i32
    %dma_start3A_134 = tpu.memref_slice %arg3[%add3A_131, %dma_start3A_132, %dma_start3A_133] : memref<2562x2x128xi32, #tpu.memory_space<hbm>> -> memref<1x2x128xi32, #tpu.memory_space<hbm>>
    %dma_start3A_135 = tpu.memref_squeeze %dma_start3A_134 : memref<1x2x128xi32, #tpu.memory_space<hbm>> -> memref<2x128xi32, #tpu.memory_space<hbm>>
    %dma_start3A_136 = arith.constant 0 : i32
    %dma_start3A_137 = arith.constant 0 : i32
    %dma_start3A_138 = tpu.memref_slice %arg3[%add3A_131, %dma_start3A_136, %dma_start3A_137] : memref<2562x2x128xi32, #tpu.memory_space<hbm>> -> memref<1x2x128xi32, #tpu.memory_space<hbm>>
    %dma_start3A_139 = tpu.memref_squeeze %dma_start3A_138 : memref<1x2x128xi32, #tpu.memory_space<hbm>> -> memref<2x128xi32, #tpu.memory_space<hbm>>
    tpu.enqueue_dma source(%dma_start3A_139 : memref<2x128xi32, #tpu.memory_space<hbm>>) target(%arg6 : memref<2x128xi32, #tpu.memory_space<vmem>>) target_semaphore(%arg13 : memref<!tpu.dma_semaphore, #tpu.memory_space<semaphore_mem>>)
    %dma_wait3A_140 = arith.constant 0 : i32
    %dma_wait3A_141 = arith.constant 0 : i32
    %dma_wait3A_142 = tpu.memref_slice %arg3[%add3A, %dma_wait3A_140, %dma_wait3A_141] : memref<2562x2x128xi32, #tpu.memory_space<hbm>> -> memref<1x2x128xi32, #tpu.memory_space<hbm>>
    %dma_wait3A_143 = tpu.memref_squeeze %dma_wait3A_142 : memref<1x2x128xi32, #tpu.memory_space<hbm>> -> memref<2x128xi32, #tpu.memory_space<hbm>>
    %dma_wait3A_144 = arith.constant 0 : i32
    %dma_wait3A_145 = arith.constant 0 : i32
    %dma_wait3A_146 = tpu.memref_slice %arg3[%add3A, %dma_wait3A_144, %dma_wait3A_145] : memref<2562x2x128xi32, #tpu.memory_space<hbm>> -> memref<1x2x128xi32, #tpu.memory_space<hbm>>
    %dma_wait3A_147 = tpu.memref_squeeze %dma_wait3A_146 : memref<1x2x128xi32, #tpu.memory_space<hbm>> -> memref<2x128xi32, #tpu.memory_space<hbm>>
    tpu.wait_dma2 semaphore(%arg12 : memref<!tpu.dma_semaphore, #tpu.memory_space<semaphore_mem>>) src(%dma_wait3A_147 : memref<2x128xi32, #tpu.memory_space<hbm>>) dst(%arg5 : memref<2x128xi32, #tpu.memory_space<vmem>>)
    %dma_start3A_148 = arith.constant 0 : i32
    %dma_start3A_149 = arith.constant 0 : i32
    %dma_start3A_150 = tpu.memref_slice %arg5[%dma_start3A_148, %dma_start3A_149] : memref<2x128xi32, #tpu.memory_space<vmem>> -> memref<1x128xi32, #tpu.memory_space<vmem>>
    %dma_start3A_151 = tpu.memref_squeeze %dma_start3A_150 : memref<1x128xi32, #tpu.memory_space<vmem>> -> memref<128xi32, #tpu.memory_space<vmem>>
    %dma_start3A_152 = arith.constant 0 : i32
    %dma_start3A_153 = arith.constant 0 : i32
    %dma_start3A_154 = tpu.memref_slice %arg2[%dma_start3A_152, %dma_start3A_153] : memref<80000x128xf32, #tpu.memory_space<hbm>> -> memref<80000x128xf32, #tpu.memory_space<hbm>>
    tpu.enqueue_indirect_dma source(%dma_start3A_154 : memref<80000x128xf32, #tpu.memory_space<hbm>>) target(%arg9 : memref<128x128xf32, #tpu.memory_space<vmem>>) offsets(%dma_start3A_151 : memref<128xi32, #tpu.memory_space<vmem>>) semaphore(%arg16 : memref<!tpu.dma_semaphore, #tpu.memory_space<semaphore_mem>>)
    %add3A_155 = arith.constant 2 : i32
    %add3A_156 = arith.addi %add3A, %add3A_155 : i32
    %dma_start3A_157 = arith.constant 0 : i32
    %dma_start3A_158 = arith.constant 0 : i32
    %dma_start3A_159 = tpu.memref_slice %arg3[%add3A_156, %dma_start3A_157, %dma_start3A_158] : memref<2562x2x128xi32, #tpu.memory_space<hbm>> -> memref<1x2x128xi32, #tpu.memory_space<hbm>>
    %dma_start3A_160 = tpu.memref_squeeze %dma_start3A_159 : memref<1x2x128xi32, #tpu.memory_space<hbm>> -> memref<2x128xi32, #tpu.memory_space<hbm>>
    %dma_start3A_161 = arith.constant 0 : i32
    %dma_start3A_162 = arith.constant 0 : i32
    %dma_start3A_163 = tpu.memref_slice %arg3[%add3A_156, %dma_start3A_161, %dma_start3A_162] : memref<2562x2x128xi32, #tpu.memory_space<hbm>> -> memref<1x2x128xi32, #tpu.memory_space<hbm>>
    %dma_start3A_164 = tpu.memref_squeeze %dma_start3A_163 : memref<1x2x128xi32, #tpu.memory_space<hbm>> -> memref<2x128xi32, #tpu.memory_space<hbm>>
    tpu.enqueue_dma source(%dma_start3A_164 : memref<2x128xi32, #tpu.memory_space<hbm>>) target(%arg7 : memref<2x128xi32, #tpu.memory_space<vmem>>) target_semaphore(%arg14 : memref<!tpu.dma_semaphore, #tpu.memory_space<semaphore_mem>>)
    %dma_wait3A_165 = arith.constant 0 : i32
    %dma_wait3A_166 = arith.constant 0 : i32
    %dma_wait3A_167 = tpu.memref_slice %arg3[%add3A, %dma_wait3A_165, %dma_wait3A_166] : memref<2562x2x128xi32, #tpu.memory_space<hbm>> -> memref<1x2x128xi32, #tpu.memory_space<hbm>>
    %dma_wait3A_168 = tpu.memref_squeeze %dma_wait3A_167 : memref<1x2x128xi32, #tpu.memory_space<hbm>> -> memref<2x128xi32, #tpu.memory_space<hbm>>
    %dma_wait3A_169 = arith.constant 0 : i32
    %dma_wait3A_170 = arith.constant 0 : i32
    %dma_wait3A_171 = tpu.memref_slice %arg3[%add3A, %dma_wait3A_169, %dma_wait3A_170] : memref<2562x2x128xi32, #tpu.memory_space<hbm>> -> memref<1x2x128xi32, #tpu.memory_space<hbm>>
    %dma_wait3A_172 = tpu.memref_squeeze %dma_wait3A_171 : memref<1x2x128xi32, #tpu.memory_space<hbm>> -> memref<2x128xi32, #tpu.memory_space<hbm>>
    tpu.wait_dma2 semaphore(%arg13 : memref<!tpu.dma_semaphore, #tpu.memory_space<semaphore_mem>>) src(%dma_wait3A_172 : memref<2x128xi32, #tpu.memory_space<hbm>>) dst(%arg6 : memref<2x128xi32, #tpu.memory_space<vmem>>)
    %dma_start3A_173 = arith.constant 0 : i32
    %dma_start3A_174 = arith.constant 0 : i32
    %dma_start3A_175 = tpu.memref_slice %arg6[%dma_start3A_173, %dma_start3A_174] : memref<2x128xi32, #tpu.memory_space<vmem>> -> memref<1x128xi32, #tpu.memory_space<vmem>>
    %dma_start3A_176 = tpu.memref_squeeze %dma_start3A_175 : memref<1x128xi32, #tpu.memory_space<vmem>> -> memref<128xi32, #tpu.memory_space<vmem>>
    %dma_start3A_177 = arith.constant 0 : i32
    %dma_start3A_178 = arith.constant 0 : i32
    %dma_start3A_179 = tpu.memref_slice %arg2[%dma_start3A_177, %dma_start3A_178] : memref<80000x128xf32, #tpu.memory_space<hbm>> -> memref<80000x128xf32, #tpu.memory_space<hbm>>
    tpu.enqueue_indirect_dma source(%dma_start3A_179 : memref<80000x128xf32, #tpu.memory_space<hbm>>) target(%arg10 : memref<128x128xf32, #tpu.memory_space<vmem>>) offsets(%dma_start3A_176 : memref<128xi32, #tpu.memory_space<vmem>>) semaphore(%arg17 : memref<!tpu.dma_semaphore, #tpu.memory_space<semaphore_mem>>)
    %add3A_180 = arith.constant 3 : i32
    %add3A_181 = arith.addi %add3A, %add3A_180 : i32
    %dma_start3A_182 = arith.constant 0 : i32
    %dma_start3A_183 = arith.constant 0 : i32
    %dma_start3A_184 = tpu.memref_slice %arg3[%add3A_181, %dma_start3A_182, %dma_start3A_183] : memref<2562x2x128xi32, #tpu.memory_space<hbm>> -> memref<1x2x128xi32, #tpu.memory_space<hbm>>
    %dma_start3A_185 = tpu.memref_squeeze %dma_start3A_184 : memref<1x2x128xi32, #tpu.memory_space<hbm>> -> memref<2x128xi32, #tpu.memory_space<hbm>>
    %dma_start3A_186 = arith.constant 0 : i32
    %dma_start3A_187 = arith.constant 0 : i32
    %dma_start3A_188 = tpu.memref_slice %arg3[%add3A_181, %dma_start3A_186, %dma_start3A_187] : memref<2562x2x128xi32, #tpu.memory_space<hbm>> -> memref<1x2x128xi32, #tpu.memory_space<hbm>>
    %dma_start3A_189 = tpu.memref_squeeze %dma_start3A_188 : memref<1x2x128xi32, #tpu.memory_space<hbm>> -> memref<2x128xi32, #tpu.memory_space<hbm>>
    tpu.enqueue_dma source(%dma_start3A_189 : memref<2x128xi32, #tpu.memory_space<hbm>>) target(%arg8 : memref<2x128xi32, #tpu.memory_space<vmem>>) target_semaphore(%arg15 : memref<!tpu.dma_semaphore, #tpu.memory_space<semaphore_mem>>)
    %dma_wait3A_190 = arith.constant 0 : i32
    %dma_wait3A_191 = arith.constant 0 : i32
    %dma_wait3A_192 = tpu.memref_slice %arg5[%dma_wait3A_190, %dma_wait3A_191] : memref<2x128xi32, #tpu.memory_space<vmem>> -> memref<1x128xi32, #tpu.memory_space<vmem>>
    %dma_wait3A_193 = tpu.memref_squeeze %dma_wait3A_192 : memref<1x128xi32, #tpu.memory_space<vmem>> -> memref<128xi32, #tpu.memory_space<vmem>>
    %dma_wait3A_194 = arith.constant 0 : i32
    %dma_wait3A_195 = arith.constant 0 : i32
    %dma_wait3A_196 = tpu.memref_slice %arg2[%dma_wait3A_194, %dma_wait3A_195] : memref<80000x128xf32, #tpu.memory_space<hbm>> -> memref<80000x128xf32, #tpu.memory_space<hbm>>
    tpu.wait_indirect_dma semaphore(%arg16 : memref<!tpu.dma_semaphore, #tpu.memory_space<semaphore_mem>>) src(%dma_wait3A_196 : memref<80000x128xf32, #tpu.memory_space<hbm>>) dst(%arg9 : memref<128x128xf32, #tpu.memory_space<vmem>>)
    %dma_start3A_197 = arith.constant 1 : i32
    %dma_start3A_198 = arith.constant 0 : i32
    %dma_start3A_199 = tpu.memref_slice %arg5[%dma_start3A_197, %dma_start3A_198] : memref<2x128xi32, #tpu.memory_space<vmem>> -> memref<1x128xi32, #tpu.memory_space<vmem>>
    %dma_start3A_200 = tpu.memref_squeeze %dma_start3A_199 : memref<1x128xi32, #tpu.memory_space<vmem>> -> memref<128xi32, #tpu.memory_space<vmem>>
    %dma_start3A_201 = arith.constant 0 : i32
    %dma_start3A_202 = arith.constant 0 : i32
    %dma_start3A_203 = tpu.memref_slice %arg11[%dma_start3A_201, %dma_start3A_202] : memref<10112x128xf32, #tpu.memory_space<vmem_shared>> -> memref<10112x128xf32, #tpu.memory_space<vmem_shared>>
    tpu.enqueue_indirect_dma source(%arg9 : memref<128x128xf32, #tpu.memory_space<vmem>>) target(%dma_start3A_203 : memref<10112x128xf32, #tpu.memory_space<vmem_shared>>) offsets(%dma_start3A_200 : memref<128xi32, #tpu.memory_space<vmem>>) semaphore(%arg18 : memref<!tpu.dma_semaphore, #tpu.memory_space<semaphore_mem>>) {add = true}
    %dma_wait3A_204 = arith.constant 0 : i32
    %dma_wait3A_205 = arith.constant 0 : i32
    %dma_wait3A_206 = tpu.memref_slice %arg3[%add3A, %dma_wait3A_204, %dma_wait3A_205] : memref<2562x2x128xi32, #tpu.memory_space<hbm>> -> memref<1x2x128xi32, #tpu.memory_space<hbm>>
    %dma_wait3A_207 = tpu.memref_squeeze %dma_wait3A_206 : memref<1x2x128xi32, #tpu.memory_space<hbm>> -> memref<2x128xi32, #tpu.memory_space<hbm>>
    %dma_wait3A_208 = arith.constant 0 : i32
    %dma_wait3A_209 = arith.constant 0 : i32
    %dma_wait3A_210 = tpu.memref_slice %arg3[%add3A, %dma_wait3A_208, %dma_wait3A_209] : memref<2562x2x128xi32, #tpu.memory_space<hbm>> -> memref<1x2x128xi32, #tpu.memory_space<hbm>>
    %dma_wait3A_211 = tpu.memref_squeeze %dma_wait3A_210 : memref<1x2x128xi32, #tpu.memory_space<hbm>> -> memref<2x128xi32, #tpu.memory_space<hbm>>
    tpu.wait_dma2 semaphore(%arg14 : memref<!tpu.dma_semaphore, #tpu.memory_space<semaphore_mem>>) src(%dma_wait3A_211 : memref<2x128xi32, #tpu.memory_space<hbm>>) dst(%arg7 : memref<2x128xi32, #tpu.memory_space<vmem>>)
    %dma_wait3A_212 = arith.constant 1 : i32
    %dma_wait3A_213 = arith.constant 0 : i32
    %dma_wait3A_214 = tpu.memref_slice %arg5[%dma_wait3A_212, %dma_wait3A_213] : memref<2x128xi32, #tpu.memory_space<vmem>> -> memref<1x128xi32, #tpu.memory_space<vmem>>
    %dma_wait3A_215 = tpu.memref_squeeze %dma_wait3A_214 : memref<1x128xi32, #tpu.memory_space<vmem>> -> memref<128xi32, #tpu.memory_space<vmem>>
    %dma_wait3A_216 = arith.constant 0 : i32
    %dma_wait3A_217 = arith.constant 0 : i32
    %dma_wait3A_218 = tpu.memref_slice %arg11[%dma_wait3A_216, %dma_wait3A_217] : memref<10112x128xf32, #tpu.memory_space<vmem_shared>> -> memref<10112x128xf32, #tpu.memory_space<vmem_shared>>
    tpu.wait_indirect_dma semaphore(%arg18 : memref<!tpu.dma_semaphore, #tpu.memory_space<semaphore_mem>>) src(%arg9 : memref<128x128xf32, #tpu.memory_space<vmem>>) dst(%dma_wait3A_218 : memref<10112x128xf32, #tpu.memory_space<vmem_shared>>)
    %dma_start3A_219 = arith.constant 0 : i32
    %dma_start3A_220 = arith.constant 0 : i32
    %dma_start3A_221 = tpu.memref_slice %arg7[%dma_start3A_219, %dma_start3A_220] : memref<2x128xi32, #tpu.memory_space<vmem>> -> memref<1x128xi32, #tpu.memory_space<vmem>>
    %dma_start3A_222 = tpu.memref_squeeze %dma_start3A_221 : memref<1x128xi32, #tpu.memory_space<vmem>> -> memref<128xi32, #tpu.memory_space<vmem>>
    %dma_start3A_223 = arith.constant 0 : i32
    %dma_start3A_224 = arith.constant 0 : i32
    %dma_start3A_225 = tpu.memref_slice %arg2[%dma_start3A_223, %dma_start3A_224] : memref<80000x128xf32, #tpu.memory_space<hbm>> -> memref<80000x128xf32, #tpu.memory_space<hbm>>
    tpu.enqueue_indirect_dma source(%dma_start3A_225 : memref<80000x128xf32, #tpu.memory_space<hbm>>) target(%arg9 : memref<128x128xf32, #tpu.memory_space<vmem>>) offsets(%dma_start3A_222 : memref<128xi32, #tpu.memory_space<vmem>>) semaphore(%arg16 : memref<!tpu.dma_semaphore, #tpu.memory_space<semaphore_mem>>)
    %add3A_226 = arith.constant 4 : i32
    %add3A_227 = arith.addi %add3A, %add3A_226 : i32
    %dma_start3A_228 = arith.constant 0 : i32
    %dma_start3A_229 = arith.constant 0 : i32
    %dma_start3A_230 = tpu.memref_slice %arg3[%add3A_227, %dma_start3A_228, %dma_start3A_229] : memref<2562x2x128xi32, #tpu.memory_space<hbm>> -> memref<1x2x128xi32, #tpu.memory_space<hbm>>
    %dma_start3A_231 = tpu.memref_squeeze %dma_start3A_230 : memref<1x2x128xi32, #tpu.memory_space<hbm>> -> memref<2x128xi32, #tpu.memory_space<hbm>>
    %dma_start3A_232 = arith.constant 0 : i32
    %dma_start3A_233 = arith.constant 0 : i32
    %dma_start3A_234 = tpu.memref_slice %arg3[%add3A_227, %dma_start3A_232, %dma_start3A_233] : memref<2562x2x128xi32, #tpu.memory_space<hbm>> -> memref<1x2x128xi32, #tpu.memory_space<hbm>>
    %dma_start3A_235 = tpu.memref_squeeze %dma_start3A_234 : memref<1x2x128xi32, #tpu.memory_space<hbm>> -> memref<2x128xi32, #tpu.memory_space<hbm>>
    tpu.enqueue_dma source(%dma_start3A_235 : memref<2x128xi32, #tpu.memory_space<hbm>>) target(%arg5 : memref<2x128xi32, #tpu.memory_space<vmem>>) target_semaphore(%arg12 : memref<!tpu.dma_semaphore, #tpu.memory_space<semaphore_mem>>)
    %dma_wait3A_236 = arith.constant 0 : i32
    %dma_wait3A_237 = arith.constant 0 : i32
    %dma_wait3A_238 = tpu.memref_slice %arg6[%dma_wait3A_236, %dma_wait3A_237] : memref<2x128xi32, #tpu.memory_space<vmem>> -> memref<1x128xi32, #tpu.memory_space<vmem>>
    %dma_wait3A_239 = tpu.memref_squeeze %dma_wait3A_238 : memref<1x128xi32, #tpu.memory_space<vmem>> -> memref<128xi32, #tpu.memory_space<vmem>>
    %dma_wait3A_240 = arith.constant 0 : i32
    %dma_wait3A_241 = arith.constant 0 : i32
    %dma_wait3A_242 = tpu.memref_slice %arg2[%dma_wait3A_240, %dma_wait3A_241] : memref<80000x128xf32, #tpu.memory_space<hbm>> -> memref<80000x128xf32, #tpu.memory_space<hbm>>
    tpu.wait_indirect_dma semaphore(%arg17 : memref<!tpu.dma_semaphore, #tpu.memory_space<semaphore_mem>>) src(%dma_wait3A_242 : memref<80000x128xf32, #tpu.memory_space<hbm>>) dst(%arg10 : memref<128x128xf32, #tpu.memory_space<vmem>>)
    %dma_start3A_243 = arith.constant 1 : i32
    %dma_start3A_244 = arith.constant 0 : i32
    %dma_start3A_245 = tpu.memref_slice %arg6[%dma_start3A_243, %dma_start3A_244] : memref<2x128xi32, #tpu.memory_space<vmem>> -> memref<1x128xi32, #tpu.memory_space<vmem>>
    %dma_start3A_246 = tpu.memref_squeeze %dma_start3A_245 : memref<1x128xi32, #tpu.memory_space<vmem>> -> memref<128xi32, #tpu.memory_space<vmem>>
    %dma_start3A_247 = arith.constant 0 : i32
    %dma_start3A_248 = arith.constant 0 : i32
    %dma_start3A_249 = tpu.memref_slice %arg11[%dma_start3A_247, %dma_start3A_248] : memref<10112x128xf32, #tpu.memory_space<vmem_shared>> -> memref<10112x128xf32, #tpu.memory_space<vmem_shared>>
    tpu.enqueue_indirect_dma source(%arg10 : memref<128x128xf32, #tpu.memory_space<vmem>>) target(%dma_start3A_249 : memref<10112x128xf32, #tpu.memory_space<vmem_shared>>) offsets(%dma_start3A_246 : memref<128xi32, #tpu.memory_space<vmem>>) semaphore(%arg19 : memref<!tpu.dma_semaphore, #tpu.memory_space<semaphore_mem>>) {add = true}
    %dma_wait3A_250 = arith.constant 0 : i32
    %dma_wait3A_251 = arith.constant 0 : i32
    %dma_wait3A_252 = tpu.memref_slice %arg3[%add3A, %dma_wait3A_250, %dma_wait3A_251] : memref<2562x2x128xi32, #tpu.memory_space<hbm>> -> memref<1x2x128xi32, #tpu.memory_space<hbm>>
    %dma_wait3A_253 = tpu.memref_squeeze %dma_wait3A_252 : memref<1x2x128xi32, #tpu.memory_space<hbm>> -> memref<2x128xi32, #tpu.memory_space<hbm>>
    %dma_wait3A_254 = arith.constant 0 : i32
    %dma_wait3A_255 = arith.constant 0 : i32
    %dma_wait3A_256 = tpu.memref_slice %arg3[%add3A, %dma_wait3A_254, %dma_wait3A_255] : memref<2562x2x128xi32, #tpu.memory_space<hbm>> -> memref<1x2x128xi32, #tpu.memory_space<hbm>>
    %dma_wait3A_257 = tpu.memref_squeeze %dma_wait3A_256 : memref<1x2x128xi32, #tpu.memory_space<hbm>> -> memref<2x128xi32, #tpu.memory_space<hbm>>
    tpu.wait_dma2 semaphore(%arg15 : memref<!tpu.dma_semaphore, #tpu.memory_space<semaphore_mem>>) src(%dma_wait3A_257 : memref<2x128xi32, #tpu.memory_space<hbm>>) dst(%arg8 : memref<2x128xi32, #tpu.memory_space<vmem>>)
    %dma_wait3A_258 = arith.constant 1 : i32
    %dma_wait3A_259 = arith.constant 0 : i32
    %dma_wait3A_260 = tpu.memref_slice %arg6[%dma_wait3A_258, %dma_wait3A_259] : memref<2x128xi32, #tpu.memory_space<vmem>> -> memref<1x128xi32, #tpu.memory_space<vmem>>
    %dma_wait3A_261 = tpu.memref_squeeze %dma_wait3A_260 : memref<1x128xi32, #tpu.memory_space<vmem>> -> memref<128xi32, #tpu.memory_space<vmem>>
    %dma_wait3A_262 = arith.constant 0 : i32
    %dma_wait3A_263 = arith.constant 0 : i32
    %dma_wait3A_264 = tpu.memref_slice %arg11[%dma_wait3A_262, %dma_wait3A_263] : memref<10112x128xf32, #tpu.memory_space<vmem_shared>> -> memref<10112x128xf32, #tpu.memory_space<vmem_shared>>
    tpu.wait_indirect_dma semaphore(%arg19 : memref<!tpu.dma_semaphore, #tpu.memory_space<semaphore_mem>>) src(%arg10 : memref<128x128xf32, #tpu.memory_space<vmem>>) dst(%dma_wait3A_264 : memref<10112x128xf32, #tpu.memory_space<vmem_shared>>)
    %dma_start3A_265 = arith.constant 0 : i32
    %dma_start3A_266 = arith.constant 0 : i32
    %dma_start3A_267 = tpu.memref_slice %arg8[%dma_start3A_265, %dma_start3A_266] : memref<2x128xi32, #tpu.memory_space<vmem>> -> memref<1x128xi32, #tpu.memory_space<vmem>>
    %dma_start3A_268 = tpu.memref_squeeze %dma_start3A_267 : memref<1x128xi32, #tpu.memory_space<vmem>> -> memref<128xi32, #tpu.memory_space<vmem>>
    %dma_start3A_269 = arith.constant 0 : i32
    %dma_start3A_270 = arith.constant 0 : i32
    %dma_start3A_271 = tpu.memref_slice %arg2[%dma_start3A_269, %dma_start3A_270] : memref<80000x128xf32, #tpu.memory_space<hbm>> -> memref<80000x128xf32, #tpu.memory_space<hbm>>
    tpu.enqueue_indirect_dma source(%dma_start3A_271 : memref<80000x128xf32, #tpu.memory_space<hbm>>) target(%arg10 : memref<128x128xf32, #tpu.memory_space<vmem>>) offsets(%dma_start3A_268 : memref<128xi32, #tpu.memory_space<vmem>>) semaphore(%arg17 : memref<!tpu.dma_semaphore, #tpu.memory_space<semaphore_mem>>)
    %add3A_272 = arith.constant 5 : i32
    %add3A_273 = arith.addi %add3A, %add3A_272 : i32
    %dma_start3A_274 = arith.constant 0 : i32
    %dma_start3A_275 = arith.constant 0 : i32
    %dma_start3A_276 = tpu.memref_slice %arg3[%add3A_273, %dma_start3A_274, %dma_start3A_275] : memref<2562x2x128xi32, #tpu.memory_space<hbm>> -> memref<1x2x128xi32, #tpu.memory_space<hbm>>
    %dma_start3A_277 = tpu.memref_squeeze %dma_start3A_276 : memref<1x2x128xi32, #tpu.memory_space<hbm>> -> memref<2x128xi32, #tpu.memory_space<hbm>>
    %dma_start3A_278 = arith.constant 0 : i32
    %dma_start3A_279 = arith.constant 0 : i32
    %dma_start3A_280 = tpu.memref_slice %arg3[%add3A_273, %dma_start3A_278, %dma_start3A_279] : memref<2562x2x128xi32, #tpu.memory_space<hbm>> -> memref<1x2x128xi32, #tpu.memory_space<hbm>>
    %dma_start3A_281 = tpu.memref_squeeze %dma_start3A_280 : memref<1x2x128xi32, #tpu.memory_space<hbm>> -> memref<2x128xi32, #tpu.memory_space<hbm>>
    tpu.enqueue_dma source(%dma_start3A_281 : memref<2x128xi32, #tpu.memory_space<hbm>>) target(%arg6 : memref<2x128xi32, #tpu.memory_space<vmem>>) target_semaphore(%arg13 : memref<!tpu.dma_semaphore, #tpu.memory_space<semaphore_mem>>)
    %dma_wait3A_282 = arith.constant 0 : i32
    %dma_wait3A_283 = arith.constant 0 : i32
    %dma_wait3A_284 = tpu.memref_slice %arg7[%dma_wait3A_282, %dma_wait3A_283] : memref<2x128xi32, #tpu.memory_space<vmem>> -> memref<1x128xi32, #tpu.memory_space<vmem>>
    %dma_wait3A_285 = tpu.memref_squeeze %dma_wait3A_284 : memref<1x128xi32, #tpu.memory_space<vmem>> -> memref<128xi32, #tpu.memory_space<vmem>>
    %dma_wait3A_286 = arith.constant 0 : i32
    %dma_wait3A_287 = arith.constant 0 : i32
    %dma_wait3A_288 = tpu.memref_slice %arg2[%dma_wait3A_286, %dma_wait3A_287] : memref<80000x128xf32, #tpu.memory_space<hbm>> -> memref<80000x128xf32, #tpu.memory_space<hbm>>
    tpu.wait_indirect_dma semaphore(%arg16 : memref<!tpu.dma_semaphore, #tpu.memory_space<semaphore_mem>>) src(%dma_wait3A_288 : memref<80000x128xf32, #tpu.memory_space<hbm>>) dst(%arg9 : memref<128x128xf32, #tpu.memory_space<vmem>>)
    %dma_start3A_289 = arith.constant 1 : i32
    %dma_start3A_290 = arith.constant 0 : i32
    %dma_start3A_291 = tpu.memref_slice %arg7[%dma_start3A_289, %dma_start3A_290] : memref<2x128xi32, #tpu.memory_space<vmem>> -> memref<1x128xi32, #tpu.memory_space<vmem>>
    %dma_start3A_292 = tpu.memref_squeeze %dma_start3A_291 : memref<1x128xi32, #tpu.memory_space<vmem>> -> memref<128xi32, #tpu.memory_space<vmem>>
    %dma_start3A_293 = arith.constant 0 : i32
    %dma_start3A_294 = arith.constant 0 : i32
    %dma_start3A_295 = tpu.memref_slice %arg11[%dma_start3A_293, %dma_start3A_294] : memref<10112x128xf32, #tpu.memory_space<vmem_shared>> -> memref<10112x128xf32, #tpu.memory_space<vmem_shared>>
    tpu.enqueue_indirect_dma source(%arg9 : memref<128x128xf32, #tpu.memory_space<vmem>>) target(%dma_start3A_295 : memref<10112x128xf32, #tpu.memory_space<vmem_shared>>) offsets(%dma_start3A_292 : memref<128xi32, #tpu.memory_space<vmem>>) semaphore(%arg18 : memref<!tpu.dma_semaphore, #tpu.memory_space<semaphore_mem>>) {add = true}
    %jit3A_296 = arith.constant 4 : i32
    %div3A = arith.divsi %select_n3A, %jit3A_296 : i32
    %sign3A = arith.constant 0 : i32
    %sign3A_297 = arith.cmpi sgt, %select_n3A, %sign3A : i32
    %sign3A_298 = arith.extui %sign3A_297 : i1 to i32
    %sign3A_299 = arith.constant 0 : i32
    %sign3A_300 = arith.cmpi slt, %select_n3A, %sign3A_299 : i32
    %sign3A_301 = arith.extui %sign3A_300 : i1 to i32
    %sign3A_302 = arith.subi %sign3A_298, %sign3A_301 : i32
    %sign3A_303 = arith.constant 0 : i32
    %sign3A_304 = arith.cmpi sgt, %jit3A_296, %sign3A_303 : i32
    %sign3A_305 = arith.extui %sign3A_304 : i1 to i32
    %sign3A_306 = arith.constant 0 : i32
    %sign3A_307 = arith.cmpi slt, %jit3A_296, %sign3A_306 : i32
    %sign3A_308 = arith.extui %sign3A_307 : i1 to i32
    %sign3A_309 = arith.subi %sign3A_305, %sign3A_308 : i32
    %ne3A = arith.cmpi ne, %sign3A_302, %sign3A_309 : i32
    %rem3A = arith.remsi %select_n3A, %jit3A_296 : i32
    %ne3A_310 = arith.constant 0 : i32
    %ne3A_311 = arith.cmpi ne, %rem3A, %ne3A_310 : i32
    %and3A = arith.andi %ne3A, %ne3A_311 : i1
    %sub3A = arith.constant 1 : i32
    %sub3A_312 = arith.subi %div3A, %sub3A : i32
    %select_n3A_313 = arith.select %and3A, %sub3A_312, %div3A : i32
    %sub3A_314 = arith.constant 1 : i32
    %sub3A_315 = arith.subi %select_n3A_313, %sub3A_314 : i32
    %sub3A_316 = arith.constant 1 : i32
    %sub3A_317 = arith.constant 1 : i32
    %sub3A_318 = arith.subi %sub3A_316, %sub3A_317 : i32
    %add3A_319 = arith.addi %sub3A_315, %sub3A_318 : i32
    %div3A_320 = arith.constant 1 : i32
    %div3A_321 = arith.divsi %add3A_319, %div3A_320 : i32
    %while3A = arith.constant 1 : i32
    %while3A_322 = arith.constant 1 : i32
    %while3A_323 = arith.constant 0 : i32
    %while3A_324 = arith.subi %div3A_321, %while3A_323 : i32
    %while3A_325 = arith.addi %while3A_323, %while3A_324 : i32
    %while3A_326 = arith.constant 1 : i32
    %while3A_327 = arith.divsi %while3A_324, %while3A_326 : i32
    %while3A_328 = arith.muli %while3A_327, %while3A_326 : i32
    %while3A_329 = arith.addi %while3A_323, %while3A_328 : i32
    %while3A_330 = arith.constant 1 : i32
    scf.for %while3A_489 = %while3A_323 to %while3A_329 step %while3A_330  : i32 {
      %mul3A_490 = arith.muli %while3A_489, %while3A : i32
      %add3A_491 = arith.addi %while3A_322, %mul3A_490 : i32
      %mul3A_492 = arith.constant 4 : i32
      %mul3A_493 = arith.muli %add3A_491, %mul3A_492 : i32
      %add3A_494 = arith.constant 0 : i32
      %add3A_495 = arith.addi %mul3A_493, %add3A_494 : i32
      %dma_wait3A_496 = arith.constant 0 : i32
      %dma_wait3A_497 = arith.constant 0 : i32
      %dma_wait3A_498 = tpu.memref_slice %arg3[%add3A, %dma_wait3A_496, %dma_wait3A_497] : memref<2562x2x128xi32, #tpu.memory_space<hbm>> -> memref<1x2x128xi32, #tpu.memory_space<hbm>>
      %dma_wait3A_499 = tpu.memref_squeeze %dma_wait3A_498 : memref<1x2x128xi32, #tpu.memory_space<hbm>> -> memref<2x128xi32, #tpu.memory_space<hbm>>
      %dma_wait3A_500 = arith.constant 0 : i32
      %dma_wait3A_501 = arith.constant 0 : i32
      %dma_wait3A_502 = tpu.memref_slice %arg3[%add3A, %dma_wait3A_500, %dma_wait3A_501] : memref<2562x2x128xi32, #tpu.memory_space<hbm>> -> memref<1x2x128xi32, #tpu.memory_space<hbm>>
      %dma_wait3A_503 = tpu.memref_squeeze %dma_wait3A_502 : memref<1x2x128xi32, #tpu.memory_space<hbm>> -> memref<2x128xi32, #tpu.memory_space<hbm>>
      tpu.wait_dma2 semaphore(%arg12 : memref<!tpu.dma_semaphore, #tpu.memory_space<semaphore_mem>>) src(%dma_wait3A_503 : memref<2x128xi32, #tpu.memory_space<hbm>>) dst(%arg5 : memref<2x128xi32, #tpu.memory_space<vmem>>)
      %dma_wait3A_504 = arith.constant 1 : i32
      %dma_wait3A_505 = arith.constant 0 : i32
      %dma_wait3A_506 = tpu.memref_slice %arg7[%dma_wait3A_504, %dma_wait3A_505] : memref<2x128xi32, #tpu.memory_space<vmem>> -> memref<1x128xi32, #tpu.memory_space<vmem>>
      %dma_wait3A_507 = tpu.memref_squeeze %dma_wait3A_506 : memref<1x128xi32, #tpu.memory_space<vmem>> -> memref<128xi32, #tpu.memory_space<vmem>>
      %dma_wait3A_508 = arith.constant 0 : i32
      %dma_wait3A_509 = arith.constant 0 : i32
      %dma_wait3A_510 = tpu.memref_slice %arg11[%dma_wait3A_508, %dma_wait3A_509] : memref<10112x128xf32, #tpu.memory_space<vmem_shared>> -> memref<10112x128xf32, #tpu.memory_space<vmem_shared>>
      tpu.wait_indirect_dma semaphore(%arg18 : memref<!tpu.dma_semaphore, #tpu.memory_space<semaphore_mem>>) src(%arg9 : memref<128x128xf32, #tpu.memory_space<vmem>>) dst(%dma_wait3A_510 : memref<10112x128xf32, #tpu.memory_space<vmem_shared>>)
      %dma_start3A_511 = arith.constant 0 : i32
      %dma_start3A_512 = arith.constant 0 : i32
      %dma_start3A_513 = tpu.memref_slice %arg5[%dma_start3A_511, %dma_start3A_512] : memref<2x128xi32, #tpu.memory_space<vmem>> -> memref<1x128xi32, #tpu.memory_space<vmem>>
      %dma_start3A_514 = tpu.memref_squeeze %dma_start3A_513 : memref<1x128xi32, #tpu.memory_space<vmem>> -> memref<128xi32, #tpu.memory_space<vmem>>
      %dma_start3A_515 = arith.constant 0 : i32
      %dma_start3A_516 = arith.constant 0 : i32
      %dma_start3A_517 = tpu.memref_slice %arg2[%dma_start3A_515, %dma_start3A_516] : memref<80000x128xf32, #tpu.memory_space<hbm>> -> memref<80000x128xf32, #tpu.memory_space<hbm>>
      tpu.enqueue_indirect_dma source(%dma_start3A_517 : memref<80000x128xf32, #tpu.memory_space<hbm>>) target(%arg9 : memref<128x128xf32, #tpu.memory_space<vmem>>) offsets(%dma_start3A_514 : memref<128xi32, #tpu.memory_space<vmem>>) semaphore(%arg16 : memref<!tpu.dma_semaphore, #tpu.memory_space<semaphore_mem>>)
      %add3A_518 = arith.constant 2 : i32
      %add3A_519 = arith.addi %add3A_495, %add3A_518 : i32
      %add3A_520 = arith.addi %add3A, %add3A_519 : i32
      %dma_start3A_521 = arith.constant 0 : i32
      %dma_start3A_522 = arith.constant 0 : i32
      %dma_start3A_523 = tpu.memref_slice %arg3[%add3A_520, %dma_start3A_521, %dma_start3A_522] : memref<2562x2x128xi32, #tpu.memory_space<hbm>> -> memref<1x2x128xi32, #tpu.memory_space<hbm>>
      %dma_start3A_524 = tpu.memref_squeeze %dma_start3A_523 : memref<1x2x128xi32, #tpu.memory_space<hbm>> -> memref<2x128xi32, #tpu.memory_space<hbm>>
      %dma_start3A_525 = arith.constant 0 : i32
      %dma_start3A_526 = arith.constant 0 : i32
      %dma_start3A_527 = tpu.memref_slice %arg3[%add3A_520, %dma_start3A_525, %dma_start3A_526] : memref<2562x2x128xi32, #tpu.memory_space<hbm>> -> memref<1x2x128xi32, #tpu.memory_space<hbm>>
      %dma_start3A_528 = tpu.memref_squeeze %dma_start3A_527 : memref<1x2x128xi32, #tpu.memory_space<hbm>> -> memref<2x128xi32, #tpu.memory_space<hbm>>
      tpu.enqueue_dma source(%dma_start3A_528 : memref<2x128xi32, #tpu.memory_space<hbm>>) target(%arg7 : memref<2x128xi32, #tpu.memory_space<vmem>>) target_semaphore(%arg14 : memref<!tpu.dma_semaphore, #tpu.memory_space<semaphore_mem>>)
      %dma_wait3A_529 = arith.constant 0 : i32
      %dma_wait3A_530 = arith.constant 0 : i32
      %dma_wait3A_531 = tpu.memref_slice %arg8[%dma_wait3A_529, %dma_wait3A_530] : memref<2x128xi32, #tpu.memory_space<vmem>> -> memref<1x128xi32, #tpu.memory_space<vmem>>
      %dma_wait3A_532 = tpu.memref_squeeze %dma_wait3A_531 : memref<1x128xi32, #tpu.memory_space<vmem>> -> memref<128xi32, #tpu.memory_space<vmem>>
      %dma_wait3A_533 = arith.constant 0 : i32
      %dma_wait3A_534 = arith.constant 0 : i32
      %dma_wait3A_535 = tpu.memref_slice %arg2[%dma_wait3A_533, %dma_wait3A_534] : memref<80000x128xf32, #tpu.memory_space<hbm>> -> memref<80000x128xf32, #tpu.memory_space<hbm>>
      tpu.wait_indirect_dma semaphore(%arg17 : memref<!tpu.dma_semaphore, #tpu.memory_space<semaphore_mem>>) src(%dma_wait3A_535 : memref<80000x128xf32, #tpu.memory_space<hbm>>) dst(%arg10 : memref<128x128xf32, #tpu.memory_space<vmem>>)
      %dma_start3A_536 = arith.constant 1 : i32
      %dma_start3A_537 = arith.constant 0 : i32
      %dma_start3A_538 = tpu.memref_slice %arg8[%dma_start3A_536, %dma_start3A_537] : memref<2x128xi32, #tpu.memory_space<vmem>> -> memref<1x128xi32, #tpu.memory_space<vmem>>
      %dma_start3A_539 = tpu.memref_squeeze %dma_start3A_538 : memref<1x128xi32, #tpu.memory_space<vmem>> -> memref<128xi32, #tpu.memory_space<vmem>>
      %dma_start3A_540 = arith.constant 0 : i32
      %dma_start3A_541 = arith.constant 0 : i32
      %dma_start3A_542 = tpu.memref_slice %arg11[%dma_start3A_540, %dma_start3A_541] : memref<10112x128xf32, #tpu.memory_space<vmem_shared>> -> memref<10112x128xf32, #tpu.memory_space<vmem_shared>>
      tpu.enqueue_indirect_dma source(%arg10 : memref<128x128xf32, #tpu.memory_space<vmem>>) target(%dma_start3A_542 : memref<10112x128xf32, #tpu.memory_space<vmem_shared>>) offsets(%dma_start3A_539 : memref<128xi32, #tpu.memory_space<vmem>>) semaphore(%arg19 : memref<!tpu.dma_semaphore, #tpu.memory_space<semaphore_mem>>) {add = true}
      %add3A_543 = arith.constant 1 : i32
      %add3A_544 = arith.addi %mul3A_493, %add3A_543 : i32
      %dma_wait3A_545 = arith.constant 0 : i32
      %dma_wait3A_546 = arith.constant 0 : i32
      %dma_wait3A_547 = tpu.memref_slice %arg3[%add3A, %dma_wait3A_545, %dma_wait3A_546] : memref<2562x2x128xi32, #tpu.memory_space<hbm>> -> memref<1x2x128xi32, #tpu.memory_space<hbm>>
      %dma_wait3A_548 = tpu.memref_squeeze %dma_wait3A_547 : memref<1x2x128xi32, #tpu.memory_space<hbm>> -> memref<2x128xi32, #tpu.memory_space<hbm>>
      %dma_wait3A_549 = arith.constant 0 : i32
      %dma_wait3A_550 = arith.constant 0 : i32
      %dma_wait3A_551 = tpu.memref_slice %arg3[%add3A, %dma_wait3A_549, %dma_wait3A_550] : memref<2562x2x128xi32, #tpu.memory_space<hbm>> -> memref<1x2x128xi32, #tpu.memory_space<hbm>>
      %dma_wait3A_552 = tpu.memref_squeeze %dma_wait3A_551 : memref<1x2x128xi32, #tpu.memory_space<hbm>> -> memref<2x128xi32, #tpu.memory_space<hbm>>
      tpu.wait_dma2 semaphore(%arg13 : memref<!tpu.dma_semaphore, #tpu.memory_space<semaphore_mem>>) src(%dma_wait3A_552 : memref<2x128xi32, #tpu.memory_space<hbm>>) dst(%arg6 : memref<2x128xi32, #tpu.memory_space<vmem>>)
      %dma_wait3A_553 = arith.constant 1 : i32
      %dma_wait3A_554 = arith.constant 0 : i32
      %dma_wait3A_555 = tpu.memref_slice %arg8[%dma_wait3A_553, %dma_wait3A_554] : memref<2x128xi32, #tpu.memory_space<vmem>> -> memref<1x128xi32, #tpu.memory_space<vmem>>
      %dma_wait3A_556 = tpu.memref_squeeze %dma_wait3A_555 : memref<1x128xi32, #tpu.memory_space<vmem>> -> memref<128xi32, #tpu.memory_space<vmem>>
      %dma_wait3A_557 = arith.constant 0 : i32
      %dma_wait3A_558 = arith.constant 0 : i32
      %dma_wait3A_559 = tpu.memref_slice %arg11[%dma_wait3A_557, %dma_wait3A_558] : memref<10112x128xf32, #tpu.memory_space<vmem_shared>> -> memref<10112x128xf32, #tpu.memory_space<vmem_shared>>
      tpu.wait_indirect_dma semaphore(%arg19 : memref<!tpu.dma_semaphore, #tpu.memory_space<semaphore_mem>>) src(%arg10 : memref<128x128xf32, #tpu.memory_space<vmem>>) dst(%dma_wait3A_559 : memref<10112x128xf32, #tpu.memory_space<vmem_shared>>)
      %dma_start3A_560 = arith.constant 0 : i32
      %dma_start3A_561 = arith.constant 0 : i32
      %dma_start3A_562 = tpu.memref_slice %arg6[%dma_start3A_560, %dma_start3A_561] : memref<2x128xi32, #tpu.memory_space<vmem>> -> memref<1x128xi32, #tpu.memory_space<vmem>>
      %dma_start3A_563 = tpu.memref_squeeze %dma_start3A_562 : memref<1x128xi32, #tpu.memory_space<vmem>> -> memref<128xi32, #tpu.memory_space<vmem>>
      %dma_start3A_564 = arith.constant 0 : i32
      %dma_start3A_565 = arith.constant 0 : i32
      %dma_start3A_566 = tpu.memref_slice %arg2[%dma_start3A_564, %dma_start3A_565] : memref<80000x128xf32, #tpu.memory_space<hbm>> -> memref<80000x128xf32, #tpu.memory_space<hbm>>
      tpu.enqueue_indirect_dma source(%dma_start3A_566 : memref<80000x128xf32, #tpu.memory_space<hbm>>) target(%arg10 : memref<128x128xf32, #tpu.memory_space<vmem>>) offsets(%dma_start3A_563 : memref<128xi32, #tpu.memory_space<vmem>>) semaphore(%arg17 : memref<!tpu.dma_semaphore, #tpu.memory_space<semaphore_mem>>)
      %add3A_567 = arith.constant 2 : i32
      %add3A_568 = arith.addi %add3A_544, %add3A_567 : i32
      %add3A_569 = arith.addi %add3A, %add3A_568 : i32
      %dma_start3A_570 = arith.constant 0 : i32
      %dma_start3A_571 = arith.constant 0 : i32
      %dma_start3A_572 = tpu.memref_slice %arg3[%add3A_569, %dma_start3A_570, %dma_start3A_571] : memref<2562x2x128xi32, #tpu.memory_space<hbm>> -> memref<1x2x128xi32, #tpu.memory_space<hbm>>
      %dma_start3A_573 = tpu.memref_squeeze %dma_start3A_572 : memref<1x2x128xi32, #tpu.memory_space<hbm>> -> memref<2x128xi32, #tpu.memory_space<hbm>>
      %dma_start3A_574 = arith.constant 0 : i32
      %dma_start3A_575 = arith.constant 0 : i32
      %dma_start3A_576 = tpu.memref_slice %arg3[%add3A_569, %dma_start3A_574, %dma_start3A_575] : memref<2562x2x128xi32, #tpu.memory_space<hbm>> -> memref<1x2x128xi32, #tpu.memory_space<hbm>>
      %dma_start3A_577 = tpu.memref_squeeze %dma_start3A_576 : memref<1x2x128xi32, #tpu.memory_space<hbm>> -> memref<2x128xi32, #tpu.memory_space<hbm>>
      tpu.enqueue_dma source(%dma_start3A_577 : memref<2x128xi32, #tpu.memory_space<hbm>>) target(%arg8 : memref<2x128xi32, #tpu.memory_space<vmem>>) target_semaphore(%arg15 : memref<!tpu.dma_semaphore, #tpu.memory_space<semaphore_mem>>)
      %dma_wait3A_578 = arith.constant 0 : i32
      %dma_wait3A_579 = arith.constant 0 : i32
      %dma_wait3A_580 = tpu.memref_slice %arg5[%dma_wait3A_578, %dma_wait3A_579] : memref<2x128xi32, #tpu.memory_space<vmem>> -> memref<1x128xi32, #tpu.memory_space<vmem>>
      %dma_wait3A_581 = tpu.memref_squeeze %dma_wait3A_580 : memref<1x128xi32, #tpu.memory_space<vmem>> -> memref<128xi32, #tpu.memory_space<vmem>>
      %dma_wait3A_582 = arith.constant 0 : i32
      %dma_wait3A_583 = arith.constant 0 : i32
      %dma_wait3A_584 = tpu.memref_slice %arg2[%dma_wait3A_582, %dma_wait3A_583] : memref<80000x128xf32, #tpu.memory_space<hbm>> -> memref<80000x128xf32, #tpu.memory_space<hbm>>
      tpu.wait_indirect_dma semaphore(%arg16 : memref<!tpu.dma_semaphore, #tpu.memory_space<semaphore_mem>>) src(%dma_wait3A_584 : memref<80000x128xf32, #tpu.memory_space<hbm>>) dst(%arg9 : memref<128x128xf32, #tpu.memory_space<vmem>>)
      %dma_start3A_585 = arith.constant 1 : i32
      %dma_start3A_586 = arith.constant 0 : i32
      %dma_start3A_587 = tpu.memref_slice %arg5[%dma_start3A_585, %dma_start3A_586] : memref<2x128xi32, #tpu.memory_space<vmem>> -> memref<1x128xi32, #tpu.memory_space<vmem>>
      %dma_start3A_588 = tpu.memref_squeeze %dma_start3A_587 : memref<1x128xi32, #tpu.memory_space<vmem>> -> memref<128xi32, #tpu.memory_space<vmem>>
      %dma_start3A_589 = arith.constant 0 : i32
      %dma_start3A_590 = arith.constant 0 : i32
      %dma_start3A_591 = tpu.memref_slice %arg11[%dma_start3A_589, %dma_start3A_590] : memref<10112x128xf32, #tpu.memory_space<vmem_shared>> -> memref<10112x128xf32, #tpu.memory_space<vmem_shared>>
      tpu.enqueue_indirect_dma source(%arg9 : memref<128x128xf32, #tpu.memory_space<vmem>>) target(%dma_start3A_591 : memref<10112x128xf32, #tpu.memory_space<vmem_shared>>) offsets(%dma_start3A_588 : memref<128xi32, #tpu.memory_space<vmem>>) semaphore(%arg18 : memref<!tpu.dma_semaphore, #tpu.memory_space<semaphore_mem>>) {add = true}
      %add3A_592 = arith.constant 2 : i32
      %add3A_593 = arith.addi %mul3A_493, %add3A_592 : i32
      %dma_wait3A_594 = arith.constant 0 : i32
      %dma_wait3A_595 = arith.constant 0 : i32
      %dma_wait3A_596 = tpu.memref_slice %arg3[%add3A, %dma_wait3A_594, %dma_wait3A_595] : memref<2562x2x128xi32, #tpu.memory_space<hbm>> -> memref<1x2x128xi32, #tpu.memory_space<hbm>>
      %dma_wait3A_597 = tpu.memref_squeeze %dma_wait3A_596 : memref<1x2x128xi32, #tpu.memory_space<hbm>> -> memref<2x128xi32, #tpu.memory_space<hbm>>
      %dma_wait3A_598 = arith.constant 0 : i32
      %dma_wait3A_599 = arith.constant 0 : i32
      %dma_wait3A_600 = tpu.memref_slice %arg3[%add3A, %dma_wait3A_598, %dma_wait3A_599] : memref<2562x2x128xi32, #tpu.memory_space<hbm>> -> memref<1x2x128xi32, #tpu.memory_space<hbm>>
      %dma_wait3A_601 = tpu.memref_squeeze %dma_wait3A_600 : memref<1x2x128xi32, #tpu.memory_space<hbm>> -> memref<2x128xi32, #tpu.memory_space<hbm>>
      tpu.wait_dma2 semaphore(%arg14 : memref<!tpu.dma_semaphore, #tpu.memory_space<semaphore_mem>>) src(%dma_wait3A_601 : memref<2x128xi32, #tpu.memory_space<hbm>>) dst(%arg7 : memref<2x128xi32, #tpu.memory_space<vmem>>)
      %dma_wait3A_602 = arith.constant 1 : i32
      %dma_wait3A_603 = arith.constant 0 : i32
      %dma_wait3A_604 = tpu.memref_slice %arg5[%dma_wait3A_602, %dma_wait3A_603] : memref<2x128xi32, #tpu.memory_space<vmem>> -> memref<1x128xi32, #tpu.memory_space<vmem>>
      %dma_wait3A_605 = tpu.memref_squeeze %dma_wait3A_604 : memref<1x128xi32, #tpu.memory_space<vmem>> -> memref<128xi32, #tpu.memory_space<vmem>>
      %dma_wait3A_606 = arith.constant 0 : i32
      %dma_wait3A_607 = arith.constant 0 : i32
      %dma_wait3A_608 = tpu.memref_slice %arg11[%dma_wait3A_606, %dma_wait3A_607] : memref<10112x128xf32, #tpu.memory_space<vmem_shared>> -> memref<10112x128xf32, #tpu.memory_space<vmem_shared>>
      tpu.wait_indirect_dma semaphore(%arg18 : memref<!tpu.dma_semaphore, #tpu.memory_space<semaphore_mem>>) src(%arg9 : memref<128x128xf32, #tpu.memory_space<vmem>>) dst(%dma_wait3A_608 : memref<10112x128xf32, #tpu.memory_space<vmem_shared>>)
      %dma_start3A_609 = arith.constant 0 : i32
      %dma_start3A_610 = arith.constant 0 : i32
      %dma_start3A_611 = tpu.memref_slice %arg7[%dma_start3A_609, %dma_start3A_610] : memref<2x128xi32, #tpu.memory_space<vmem>> -> memref<1x128xi32, #tpu.memory_space<vmem>>
      %dma_start3A_612 = tpu.memref_squeeze %dma_start3A_611 : memref<1x128xi32, #tpu.memory_space<vmem>> -> memref<128xi32, #tpu.memory_space<vmem>>
      %dma_start3A_613 = arith.constant 0 : i32
      %dma_start3A_614 = arith.constant 0 : i32
      %dma_start3A_615 = tpu.memref_slice %arg2[%dma_start3A_613, %dma_start3A_614] : memref<80000x128xf32, #tpu.memory_space<hbm>> -> memref<80000x128xf32, #tpu.memory_space<hbm>>
      tpu.enqueue_indirect_dma source(%dma_start3A_615 : memref<80000x128xf32, #tpu.memory_space<hbm>>) target(%arg9 : memref<128x128xf32, #tpu.memory_space<vmem>>) offsets(%dma_start3A_612 : memref<128xi32, #tpu.memory_space<vmem>>) semaphore(%arg16 : memref<!tpu.dma_semaphore, #tpu.memory_space<semaphore_mem>>)
      %add3A_616 = arith.constant 2 : i32
      %add3A_617 = arith.addi %add3A_593, %add3A_616 : i32
      %add3A_618 = arith.addi %add3A, %add3A_617 : i32
      %dma_start3A_619 = arith.constant 0 : i32
      %dma_start3A_620 = arith.constant 0 : i32
      %dma_start3A_621 = tpu.memref_slice %arg3[%add3A_618, %dma_start3A_619, %dma_start3A_620] : memref<2562x2x128xi32, #tpu.memory_space<hbm>> -> memref<1x2x128xi32, #tpu.memory_space<hbm>>
      %dma_start3A_622 = tpu.memref_squeeze %dma_start3A_621 : memref<1x2x128xi32, #tpu.memory_space<hbm>> -> memref<2x128xi32, #tpu.memory_space<hbm>>
      %dma_start3A_623 = arith.constant 0 : i32
      %dma_start3A_624 = arith.constant 0 : i32
      %dma_start3A_625 = tpu.memref_slice %arg3[%add3A_618, %dma_start3A_623, %dma_start3A_624] : memref<2562x2x128xi32, #tpu.memory_space<hbm>> -> memref<1x2x128xi32, #tpu.memory_space<hbm>>
      %dma_start3A_626 = tpu.memref_squeeze %dma_start3A_625 : memref<1x2x128xi32, #tpu.memory_space<hbm>> -> memref<2x128xi32, #tpu.memory_space<hbm>>
      tpu.enqueue_dma source(%dma_start3A_626 : memref<2x128xi32, #tpu.memory_space<hbm>>) target(%arg5 : memref<2x128xi32, #tpu.memory_space<vmem>>) target_semaphore(%arg12 : memref<!tpu.dma_semaphore, #tpu.memory_space<semaphore_mem>>)
      %dma_wait3A_627 = arith.constant 0 : i32
      %dma_wait3A_628 = arith.constant 0 : i32
      %dma_wait3A_629 = tpu.memref_slice %arg6[%dma_wait3A_627, %dma_wait3A_628] : memref<2x128xi32, #tpu.memory_space<vmem>> -> memref<1x128xi32, #tpu.memory_space<vmem>>
      %dma_wait3A_630 = tpu.memref_squeeze %dma_wait3A_629 : memref<1x128xi32, #tpu.memory_space<vmem>> -> memref<128xi32, #tpu.memory_space<vmem>>
      %dma_wait3A_631 = arith.constant 0 : i32
      %dma_wait3A_632 = arith.constant 0 : i32
      %dma_wait3A_633 = tpu.memref_slice %arg2[%dma_wait3A_631, %dma_wait3A_632] : memref<80000x128xf32, #tpu.memory_space<hbm>> -> memref<80000x128xf32, #tpu.memory_space<hbm>>
      tpu.wait_indirect_dma semaphore(%arg17 : memref<!tpu.dma_semaphore, #tpu.memory_space<semaphore_mem>>) src(%dma_wait3A_633 : memref<80000x128xf32, #tpu.memory_space<hbm>>) dst(%arg10 : memref<128x128xf32, #tpu.memory_space<vmem>>)
      %dma_start3A_634 = arith.constant 1 : i32
      %dma_start3A_635 = arith.constant 0 : i32
      %dma_start3A_636 = tpu.memref_slice %arg6[%dma_start3A_634, %dma_start3A_635] : memref<2x128xi32, #tpu.memory_space<vmem>> -> memref<1x128xi32, #tpu.memory_space<vmem>>
      %dma_start3A_637 = tpu.memref_squeeze %dma_start3A_636 : memref<1x128xi32, #tpu.memory_space<vmem>> -> memref<128xi32, #tpu.memory_space<vmem>>
      %dma_start3A_638 = arith.constant 0 : i32
      %dma_start3A_639 = arith.constant 0 : i32
      %dma_start3A_640 = tpu.memref_slice %arg11[%dma_start3A_638, %dma_start3A_639] : memref<10112x128xf32, #tpu.memory_space<vmem_shared>> -> memref<10112x128xf32, #tpu.memory_space<vmem_shared>>
      tpu.enqueue_indirect_dma source(%arg10 : memref<128x128xf32, #tpu.memory_space<vmem>>) target(%dma_start3A_640 : memref<10112x128xf32, #tpu.memory_space<vmem_shared>>) offsets(%dma_start3A_637 : memref<128xi32, #tpu.memory_space<vmem>>) semaphore(%arg19 : memref<!tpu.dma_semaphore, #tpu.memory_space<semaphore_mem>>) {add = true}
      %add3A_641 = arith.constant 3 : i32
      %add3A_642 = arith.addi %mul3A_493, %add3A_641 : i32
      %dma_wait3A_643 = arith.constant 0 : i32
      %dma_wait3A_644 = arith.constant 0 : i32
      %dma_wait3A_645 = tpu.memref_slice %arg3[%add3A, %dma_wait3A_643, %dma_wait3A_644] : memref<2562x2x128xi32, #tpu.memory_space<hbm>> -> memref<1x2x128xi32, #tpu.memory_space<hbm>>
      %dma_wait3A_646 = tpu.memref_squeeze %dma_wait3A_645 : memref<1x2x128xi32, #tpu.memory_space<hbm>> -> memref<2x128xi32, #tpu.memory_space<hbm>>
      %dma_wait3A_647 = arith.constant 0 : i32
      %dma_wait3A_648 = arith.constant 0 : i32
      %dma_wait3A_649 = tpu.memref_slice %arg3[%add3A, %dma_wait3A_647, %dma_wait3A_648] : memref<2562x2x128xi32, #tpu.memory_space<hbm>> -> memref<1x2x128xi32, #tpu.memory_space<hbm>>
      %dma_wait3A_650 = tpu.memref_squeeze %dma_wait3A_649 : memref<1x2x128xi32, #tpu.memory_space<hbm>> -> memref<2x128xi32, #tpu.memory_space<hbm>>
      tpu.wait_dma2 semaphore(%arg15 : memref<!tpu.dma_semaphore, #tpu.memory_space<semaphore_mem>>) src(%dma_wait3A_650 : memref<2x128xi32, #tpu.memory_space<hbm>>) dst(%arg8 : memref<2x128xi32, #tpu.memory_space<vmem>>)
      %dma_wait3A_651 = arith.constant 1 : i32
      %dma_wait3A_652 = arith.constant 0 : i32
      %dma_wait3A_653 = tpu.memref_slice %arg6[%dma_wait3A_651, %dma_wait3A_652] : memref<2x128xi32, #tpu.memory_space<vmem>> -> memref<1x128xi32, #tpu.memory_space<vmem>>
      %dma_wait3A_654 = tpu.memref_squeeze %dma_wait3A_653 : memref<1x128xi32, #tpu.memory_space<vmem>> -> memref<128xi32, #tpu.memory_space<vmem>>
      %dma_wait3A_655 = arith.constant 0 : i32
      %dma_wait3A_656 = arith.constant 0 : i32
      %dma_wait3A_657 = tpu.memref_slice %arg11[%dma_wait3A_655, %dma_wait3A_656] : memref<10112x128xf32, #tpu.memory_space<vmem_shared>> -> memref<10112x128xf32, #tpu.memory_space<vmem_shared>>
      tpu.wait_indirect_dma semaphore(%arg19 : memref<!tpu.dma_semaphore, #tpu.memory_space<semaphore_mem>>) src(%arg10 : memref<128x128xf32, #tpu.memory_space<vmem>>) dst(%dma_wait3A_657 : memref<10112x128xf32, #tpu.memory_space<vmem_shared>>)
      %dma_start3A_658 = arith.constant 0 : i32
      %dma_start3A_659 = arith.constant 0 : i32
      %dma_start3A_660 = tpu.memref_slice %arg8[%dma_start3A_658, %dma_start3A_659] : memref<2x128xi32, #tpu.memory_space<vmem>> -> memref<1x128xi32, #tpu.memory_space<vmem>>
      %dma_start3A_661 = tpu.memref_squeeze %dma_start3A_660 : memref<1x128xi32, #tpu.memory_space<vmem>> -> memref<128xi32, #tpu.memory_space<vmem>>
      %dma_start3A_662 = arith.constant 0 : i32
      %dma_start3A_663 = arith.constant 0 : i32
      %dma_start3A_664 = tpu.memref_slice %arg2[%dma_start3A_662, %dma_start3A_663] : memref<80000x128xf32, #tpu.memory_space<hbm>> -> memref<80000x128xf32, #tpu.memory_space<hbm>>
      tpu.enqueue_indirect_dma source(%dma_start3A_664 : memref<80000x128xf32, #tpu.memory_space<hbm>>) target(%arg10 : memref<128x128xf32, #tpu.memory_space<vmem>>) offsets(%dma_start3A_661 : memref<128xi32, #tpu.memory_space<vmem>>) semaphore(%arg17 : memref<!tpu.dma_semaphore, #tpu.memory_space<semaphore_mem>>)
      %add3A_665 = arith.constant 2 : i32
      %add3A_666 = arith.addi %add3A_642, %add3A_665 : i32
      %add3A_667 = arith.addi %add3A, %add3A_666 : i32
      %dma_start3A_668 = arith.constant 0 : i32
      %dma_start3A_669 = arith.constant 0 : i32
      %dma_start3A_670 = tpu.memref_slice %arg3[%add3A_667, %dma_start3A_668, %dma_start3A_669] : memref<2562x2x128xi32, #tpu.memory_space<hbm>> -> memref<1x2x128xi32, #tpu.memory_space<hbm>>
      %dma_start3A_671 = tpu.memref_squeeze %dma_start3A_670 : memref<1x2x128xi32, #tpu.memory_space<hbm>> -> memref<2x128xi32, #tpu.memory_space<hbm>>
      %dma_start3A_672 = arith.constant 0 : i32
      %dma_start3A_673 = arith.constant 0 : i32
      %dma_start3A_674 = tpu.memref_slice %arg3[%add3A_667, %dma_start3A_672, %dma_start3A_673] : memref<2562x2x128xi32, #tpu.memory_space<hbm>> -> memref<1x2x128xi32, #tpu.memory_space<hbm>>
      %dma_start3A_675 = tpu.memref_squeeze %dma_start3A_674 : memref<1x2x128xi32, #tpu.memory_space<hbm>> -> memref<2x128xi32, #tpu.memory_space<hbm>>
      tpu.enqueue_dma source(%dma_start3A_675 : memref<2x128xi32, #tpu.memory_space<hbm>>) target(%arg6 : memref<2x128xi32, #tpu.memory_space<vmem>>) target_semaphore(%arg13 : memref<!tpu.dma_semaphore, #tpu.memory_space<semaphore_mem>>)
      %dma_wait3A_676 = arith.constant 0 : i32
      %dma_wait3A_677 = arith.constant 0 : i32
      %dma_wait3A_678 = tpu.memref_slice %arg7[%dma_wait3A_676, %dma_wait3A_677] : memref<2x128xi32, #tpu.memory_space<vmem>> -> memref<1x128xi32, #tpu.memory_space<vmem>>
      %dma_wait3A_679 = tpu.memref_squeeze %dma_wait3A_678 : memref<1x128xi32, #tpu.memory_space<vmem>> -> memref<128xi32, #tpu.memory_space<vmem>>
      %dma_wait3A_680 = arith.constant 0 : i32
      %dma_wait3A_681 = arith.constant 0 : i32
      %dma_wait3A_682 = tpu.memref_slice %arg2[%dma_wait3A_680, %dma_wait3A_681] : memref<80000x128xf32, #tpu.memory_space<hbm>> -> memref<80000x128xf32, #tpu.memory_space<hbm>>
      tpu.wait_indirect_dma semaphore(%arg16 : memref<!tpu.dma_semaphore, #tpu.memory_space<semaphore_mem>>) src(%dma_wait3A_682 : memref<80000x128xf32, #tpu.memory_space<hbm>>) dst(%arg9 : memref<128x128xf32, #tpu.memory_space<vmem>>)
      %dma_start3A_683 = arith.constant 1 : i32
      %dma_start3A_684 = arith.constant 0 : i32
      %dma_start3A_685 = tpu.memref_slice %arg7[%dma_start3A_683, %dma_start3A_684] : memref<2x128xi32, #tpu.memory_space<vmem>> -> memref<1x128xi32, #tpu.memory_space<vmem>>
      %dma_start3A_686 = tpu.memref_squeeze %dma_start3A_685 : memref<1x128xi32, #tpu.memory_space<vmem>> -> memref<128xi32, #tpu.memory_space<vmem>>
      %dma_start3A_687 = arith.constant 0 : i32
      %dma_start3A_688 = arith.constant 0 : i32
      %dma_start3A_689 = tpu.memref_slice %arg11[%dma_start3A_687, %dma_start3A_688] : memref<10112x128xf32, #tpu.memory_space<vmem_shared>> -> memref<10112x128xf32, #tpu.memory_space<vmem_shared>>
      tpu.enqueue_indirect_dma source(%arg9 : memref<128x128xf32, #tpu.memory_space<vmem>>) target(%dma_start3A_689 : memref<10112x128xf32, #tpu.memory_space<vmem_shared>>) offsets(%dma_start3A_686 : memref<128xi32, #tpu.memory_space<vmem>>) semaphore(%arg18 : memref<!tpu.dma_semaphore, #tpu.memory_space<semaphore_mem>>) {add = true}
    }
    %while3A_331 = arith.constant 1 : i32
    scf.for %while3A_489 = %while3A_329 to %while3A_325 step %while3A_331  : i32 {
      %mul3A_490 = arith.muli %while3A_489, %while3A : i32
      %add3A_491 = arith.addi %while3A_322, %mul3A_490 : i32
      %mul3A_492 = arith.constant 4 : i32
      %mul3A_493 = arith.muli %add3A_491, %mul3A_492 : i32
      %add3A_494 = arith.constant 0 : i32
      %add3A_495 = arith.addi %mul3A_493, %add3A_494 : i32
      %dma_wait3A_496 = arith.constant 0 : i32
      %dma_wait3A_497 = arith.constant 0 : i32
      %dma_wait3A_498 = tpu.memref_slice %arg3[%add3A, %dma_wait3A_496, %dma_wait3A_497] : memref<2562x2x128xi32, #tpu.memory_space<hbm>> -> memref<1x2x128xi32, #tpu.memory_space<hbm>>
      %dma_wait3A_499 = tpu.memref_squeeze %dma_wait3A_498 : memref<1x2x128xi32, #tpu.memory_space<hbm>> -> memref<2x128xi32, #tpu.memory_space<hbm>>
      %dma_wait3A_500 = arith.constant 0 : i32
      %dma_wait3A_501 = arith.constant 0 : i32
      %dma_wait3A_502 = tpu.memref_slice %arg3[%add3A, %dma_wait3A_500, %dma_wait3A_501] : memref<2562x2x128xi32, #tpu.memory_space<hbm>> -> memref<1x2x128xi32, #tpu.memory_space<hbm>>
      %dma_wait3A_503 = tpu.memref_squeeze %dma_wait3A_502 : memref<1x2x128xi32, #tpu.memory_space<hbm>> -> memref<2x128xi32, #tpu.memory_space<hbm>>
      tpu.wait_dma2 semaphore(%arg12 : memref<!tpu.dma_semaphore, #tpu.memory_space<semaphore_mem>>) src(%dma_wait3A_503 : memref<2x128xi32, #tpu.memory_space<hbm>>) dst(%arg5 : memref<2x128xi32, #tpu.memory_space<vmem>>)
      %dma_wait3A_504 = arith.constant 1 : i32
      %dma_wait3A_505 = arith.constant 0 : i32
      %dma_wait3A_506 = tpu.memref_slice %arg7[%dma_wait3A_504, %dma_wait3A_505] : memref<2x128xi32, #tpu.memory_space<vmem>> -> memref<1x128xi32, #tpu.memory_space<vmem>>
      %dma_wait3A_507 = tpu.memref_squeeze %dma_wait3A_506 : memref<1x128xi32, #tpu.memory_space<vmem>> -> memref<128xi32, #tpu.memory_space<vmem>>
      %dma_wait3A_508 = arith.constant 0 : i32
      %dma_wait3A_509 = arith.constant 0 : i32
      %dma_wait3A_510 = tpu.memref_slice %arg11[%dma_wait3A_508, %dma_wait3A_509] : memref<10112x128xf32, #tpu.memory_space<vmem_shared>> -> memref<10112x128xf32, #tpu.memory_space<vmem_shared>>
      tpu.wait_indirect_dma semaphore(%arg18 : memref<!tpu.dma_semaphore, #tpu.memory_space<semaphore_mem>>) src(%arg9 : memref<128x128xf32, #tpu.memory_space<vmem>>) dst(%dma_wait3A_510 : memref<10112x128xf32, #tpu.memory_space<vmem_shared>>)
      %dma_start3A_511 = arith.constant 0 : i32
      %dma_start3A_512 = arith.constant 0 : i32
      %dma_start3A_513 = tpu.memref_slice %arg5[%dma_start3A_511, %dma_start3A_512] : memref<2x128xi32, #tpu.memory_space<vmem>> -> memref<1x128xi32, #tpu.memory_space<vmem>>
      %dma_start3A_514 = tpu.memref_squeeze %dma_start3A_513 : memref<1x128xi32, #tpu.memory_space<vmem>> -> memref<128xi32, #tpu.memory_space<vmem>>
      %dma_start3A_515 = arith.constant 0 : i32
      %dma_start3A_516 = arith.constant 0 : i32
      %dma_start3A_517 = tpu.memref_slice %arg2[%dma_start3A_515, %dma_start3A_516] : memref<80000x128xf32, #tpu.memory_space<hbm>> -> memref<80000x128xf32, #tpu.memory_space<hbm>>
      tpu.enqueue_indirect_dma source(%dma_start3A_517 : memref<80000x128xf32, #tpu.memory_space<hbm>>) target(%arg9 : memref<128x128xf32, #tpu.memory_space<vmem>>) offsets(%dma_start3A_514 : memref<128xi32, #tpu.memory_space<vmem>>) semaphore(%arg16 : memref<!tpu.dma_semaphore, #tpu.memory_space<semaphore_mem>>)
      %add3A_518 = arith.constant 2 : i32
      %add3A_519 = arith.addi %add3A_495, %add3A_518 : i32
      %add3A_520 = arith.addi %add3A, %add3A_519 : i32
      %dma_start3A_521 = arith.constant 0 : i32
      %dma_start3A_522 = arith.constant 0 : i32
      %dma_start3A_523 = tpu.memref_slice %arg3[%add3A_520, %dma_start3A_521, %dma_start3A_522] : memref<2562x2x128xi32, #tpu.memory_space<hbm>> -> memref<1x2x128xi32, #tpu.memory_space<hbm>>
      %dma_start3A_524 = tpu.memref_squeeze %dma_start3A_523 : memref<1x2x128xi32, #tpu.memory_space<hbm>> -> memref<2x128xi32, #tpu.memory_space<hbm>>
      %dma_start3A_525 = arith.constant 0 : i32
      %dma_start3A_526 = arith.constant 0 : i32
      %dma_start3A_527 = tpu.memref_slice %arg3[%add3A_520, %dma_start3A_525, %dma_start3A_526] : memref<2562x2x128xi32, #tpu.memory_space<hbm>> -> memref<1x2x128xi32, #tpu.memory_space<hbm>>
      %dma_start3A_528 = tpu.memref_squeeze %dma_start3A_527 : memref<1x2x128xi32, #tpu.memory_space<hbm>> -> memref<2x128xi32, #tpu.memory_space<hbm>>
      tpu.enqueue_dma source(%dma_start3A_528 : memref<2x128xi32, #tpu.memory_space<hbm>>) target(%arg7 : memref<2x128xi32, #tpu.memory_space<vmem>>) target_semaphore(%arg14 : memref<!tpu.dma_semaphore, #tpu.memory_space<semaphore_mem>>)
      %dma_wait3A_529 = arith.constant 0 : i32
      %dma_wait3A_530 = arith.constant 0 : i32
      %dma_wait3A_531 = tpu.memref_slice %arg8[%dma_wait3A_529, %dma_wait3A_530] : memref<2x128xi32, #tpu.memory_space<vmem>> -> memref<1x128xi32, #tpu.memory_space<vmem>>
      %dma_wait3A_532 = tpu.memref_squeeze %dma_wait3A_531 : memref<1x128xi32, #tpu.memory_space<vmem>> -> memref<128xi32, #tpu.memory_space<vmem>>
      %dma_wait3A_533 = arith.constant 0 : i32
      %dma_wait3A_534 = arith.constant 0 : i32
      %dma_wait3A_535 = tpu.memref_slice %arg2[%dma_wait3A_533, %dma_wait3A_534] : memref<80000x128xf32, #tpu.memory_space<hbm>> -> memref<80000x128xf32, #tpu.memory_space<hbm>>
      tpu.wait_indirect_dma semaphore(%arg17 : memref<!tpu.dma_semaphore, #tpu.memory_space<semaphore_mem>>) src(%dma_wait3A_535 : memref<80000x128xf32, #tpu.memory_space<hbm>>) dst(%arg10 : memref<128x128xf32, #tpu.memory_space<vmem>>)
      %dma_start3A_536 = arith.constant 1 : i32
      %dma_start3A_537 = arith.constant 0 : i32
      %dma_start3A_538 = tpu.memref_slice %arg8[%dma_start3A_536, %dma_start3A_537] : memref<2x128xi32, #tpu.memory_space<vmem>> -> memref<1x128xi32, #tpu.memory_space<vmem>>
      %dma_start3A_539 = tpu.memref_squeeze %dma_start3A_538 : memref<1x128xi32, #tpu.memory_space<vmem>> -> memref<128xi32, #tpu.memory_space<vmem>>
      %dma_start3A_540 = arith.constant 0 : i32
      %dma_start3A_541 = arith.constant 0 : i32
      %dma_start3A_542 = tpu.memref_slice %arg11[%dma_start3A_540, %dma_start3A_541] : memref<10112x128xf32, #tpu.memory_space<vmem_shared>> -> memref<10112x128xf32, #tpu.memory_space<vmem_shared>>
      tpu.enqueue_indirect_dma source(%arg10 : memref<128x128xf32, #tpu.memory_space<vmem>>) target(%dma_start3A_542 : memref<10112x128xf32, #tpu.memory_space<vmem_shared>>) offsets(%dma_start3A_539 : memref<128xi32, #tpu.memory_space<vmem>>) semaphore(%arg19 : memref<!tpu.dma_semaphore, #tpu.memory_space<semaphore_mem>>) {add = true}
      %add3A_543 = arith.constant 1 : i32
      %add3A_544 = arith.addi %mul3A_493, %add3A_543 : i32
      %dma_wait3A_545 = arith.constant 0 : i32
      %dma_wait3A_546 = arith.constant 0 : i32
      %dma_wait3A_547 = tpu.memref_slice %arg3[%add3A, %dma_wait3A_545, %dma_wait3A_546] : memref<2562x2x128xi32, #tpu.memory_space<hbm>> -> memref<1x2x128xi32, #tpu.memory_space<hbm>>
      %dma_wait3A_548 = tpu.memref_squeeze %dma_wait3A_547 : memref<1x2x128xi32, #tpu.memory_space<hbm>> -> memref<2x128xi32, #tpu.memory_space<hbm>>
      %dma_wait3A_549 = arith.constant 0 : i32
      %dma_wait3A_550 = arith.constant 0 : i32
      %dma_wait3A_551 = tpu.memref_slice %arg3[%add3A, %dma_wait3A_549, %dma_wait3A_550] : memref<2562x2x128xi32, #tpu.memory_space<hbm>> -> memref<1x2x128xi32, #tpu.memory_space<hbm>>
      %dma_wait3A_552 = tpu.memref_squeeze %dma_wait3A_551 : memref<1x2x128xi32, #tpu.memory_space<hbm>> -> memref<2x128xi32, #tpu.memory_space<hbm>>
      tpu.wait_dma2 semaphore(%arg13 : memref<!tpu.dma_semaphore, #tpu.memory_space<semaphore_mem>>) src(%dma_wait3A_552 : memref<2x128xi32, #tpu.memory_space<hbm>>) dst(%arg6 : memref<2x128xi32, #tpu.memory_space<vmem>>)
      %dma_wait3A_553 = arith.constant 1 : i32
      %dma_wait3A_554 = arith.constant 0 : i32
      %dma_wait3A_555 = tpu.memref_slice %arg8[%dma_wait3A_553, %dma_wait3A_554] : memref<2x128xi32, #tpu.memory_space<vmem>> -> memref<1x128xi32, #tpu.memory_space<vmem>>
      %dma_wait3A_556 = tpu.memref_squeeze %dma_wait3A_555 : memref<1x128xi32, #tpu.memory_space<vmem>> -> memref<128xi32, #tpu.memory_space<vmem>>
      %dma_wait3A_557 = arith.constant 0 : i32
      %dma_wait3A_558 = arith.constant 0 : i32
      %dma_wait3A_559 = tpu.memref_slice %arg11[%dma_wait3A_557, %dma_wait3A_558] : memref<10112x128xf32, #tpu.memory_space<vmem_shared>> -> memref<10112x128xf32, #tpu.memory_space<vmem_shared>>
      tpu.wait_indirect_dma semaphore(%arg19 : memref<!tpu.dma_semaphore, #tpu.memory_space<semaphore_mem>>) src(%arg10 : memref<128x128xf32, #tpu.memory_space<vmem>>) dst(%dma_wait3A_559 : memref<10112x128xf32, #tpu.memory_space<vmem_shared>>)
      %dma_start3A_560 = arith.constant 0 : i32
      %dma_start3A_561 = arith.constant 0 : i32
      %dma_start3A_562 = tpu.memref_slice %arg6[%dma_start3A_560, %dma_start3A_561] : memref<2x128xi32, #tpu.memory_space<vmem>> -> memref<1x128xi32, #tpu.memory_space<vmem>>
      %dma_start3A_563 = tpu.memref_squeeze %dma_start3A_562 : memref<1x128xi32, #tpu.memory_space<vmem>> -> memref<128xi32, #tpu.memory_space<vmem>>
      %dma_start3A_564 = arith.constant 0 : i32
      %dma_start3A_565 = arith.constant 0 : i32
      %dma_start3A_566 = tpu.memref_slice %arg2[%dma_start3A_564, %dma_start3A_565] : memref<80000x128xf32, #tpu.memory_space<hbm>> -> memref<80000x128xf32, #tpu.memory_space<hbm>>
      tpu.enqueue_indirect_dma source(%dma_start3A_566 : memref<80000x128xf32, #tpu.memory_space<hbm>>) target(%arg10 : memref<128x128xf32, #tpu.memory_space<vmem>>) offsets(%dma_start3A_563 : memref<128xi32, #tpu.memory_space<vmem>>) semaphore(%arg17 : memref<!tpu.dma_semaphore, #tpu.memory_space<semaphore_mem>>)
      %add3A_567 = arith.constant 2 : i32
      %add3A_568 = arith.addi %add3A_544, %add3A_567 : i32
      %add3A_569 = arith.addi %add3A, %add3A_568 : i32
      %dma_start3A_570 = arith.constant 0 : i32
      %dma_start3A_571 = arith.constant 0 : i32
      %dma_start3A_572 = tpu.memref_slice %arg3[%add3A_569, %dma_start3A_570, %dma_start3A_571] : memref<2562x2x128xi32, #tpu.memory_space<hbm>> -> memref<1x2x128xi32, #tpu.memory_space<hbm>>
      %dma_start3A_573 = tpu.memref_squeeze %dma_start3A_572 : memref<1x2x128xi32, #tpu.memory_space<hbm>> -> memref<2x128xi32, #tpu.memory_space<hbm>>
      %dma_start3A_574 = arith.constant 0 : i32
      %dma_start3A_575 = arith.constant 0 : i32
      %dma_start3A_576 = tpu.memref_slice %arg3[%add3A_569, %dma_start3A_574, %dma_start3A_575] : memref<2562x2x128xi32, #tpu.memory_space<hbm>> -> memref<1x2x128xi32, #tpu.memory_space<hbm>>
      %dma_start3A_577 = tpu.memref_squeeze %dma_start3A_576 : memref<1x2x128xi32, #tpu.memory_space<hbm>> -> memref<2x128xi32, #tpu.memory_space<hbm>>
      tpu.enqueue_dma source(%dma_start3A_577 : memref<2x128xi32, #tpu.memory_space<hbm>>) target(%arg8 : memref<2x128xi32, #tpu.memory_space<vmem>>) target_semaphore(%arg15 : memref<!tpu.dma_semaphore, #tpu.memory_space<semaphore_mem>>)
      %dma_wait3A_578 = arith.constant 0 : i32
      %dma_wait3A_579 = arith.constant 0 : i32
      %dma_wait3A_580 = tpu.memref_slice %arg5[%dma_wait3A_578, %dma_wait3A_579] : memref<2x128xi32, #tpu.memory_space<vmem>> -> memref<1x128xi32, #tpu.memory_space<vmem>>
      %dma_wait3A_581 = tpu.memref_squeeze %dma_wait3A_580 : memref<1x128xi32, #tpu.memory_space<vmem>> -> memref<128xi32, #tpu.memory_space<vmem>>
      %dma_wait3A_582 = arith.constant 0 : i32
      %dma_wait3A_583 = arith.constant 0 : i32
      %dma_wait3A_584 = tpu.memref_slice %arg2[%dma_wait3A_582, %dma_wait3A_583] : memref<80000x128xf32, #tpu.memory_space<hbm>> -> memref<80000x128xf32, #tpu.memory_space<hbm>>
      tpu.wait_indirect_dma semaphore(%arg16 : memref<!tpu.dma_semaphore, #tpu.memory_space<semaphore_mem>>) src(%dma_wait3A_584 : memref<80000x128xf32, #tpu.memory_space<hbm>>) dst(%arg9 : memref<128x128xf32, #tpu.memory_space<vmem>>)
      %dma_start3A_585 = arith.constant 1 : i32
      %dma_start3A_586 = arith.constant 0 : i32
      %dma_start3A_587 = tpu.memref_slice %arg5[%dma_start3A_585, %dma_start3A_586] : memref<2x128xi32, #tpu.memory_space<vmem>> -> memref<1x128xi32, #tpu.memory_space<vmem>>
      %dma_start3A_588 = tpu.memref_squeeze %dma_start3A_587 : memref<1x128xi32, #tpu.memory_space<vmem>> -> memref<128xi32, #tpu.memory_space<vmem>>
      %dma_start3A_589 = arith.constant 0 : i32
      %dma_start3A_590 = arith.constant 0 : i32
      %dma_start3A_591 = tpu.memref_slice %arg11[%dma_start3A_589, %dma_start3A_590] : memref<10112x128xf32, #tpu.memory_space<vmem_shared>> -> memref<10112x128xf32, #tpu.memory_space<vmem_shared>>
      tpu.enqueue_indirect_dma source(%arg9 : memref<128x128xf32, #tpu.memory_space<vmem>>) target(%dma_start3A_591 : memref<10112x128xf32, #tpu.memory_space<vmem_shared>>) offsets(%dma_start3A_588 : memref<128xi32, #tpu.memory_space<vmem>>) semaphore(%arg18 : memref<!tpu.dma_semaphore, #tpu.memory_space<semaphore_mem>>) {add = true}
      %add3A_592 = arith.constant 2 : i32
      %add3A_593 = arith.addi %mul3A_493, %add3A_592 : i32
      %dma_wait3A_594 = arith.constant 0 : i32
      %dma_wait3A_595 = arith.constant 0 : i32
      %dma_wait3A_596 = tpu.memref_slice %arg3[%add3A, %dma_wait3A_594, %dma_wait3A_595] : memref<2562x2x128xi32, #tpu.memory_space<hbm>> -> memref<1x2x128xi32, #tpu.memory_space<hbm>>
      %dma_wait3A_597 = tpu.memref_squeeze %dma_wait3A_596 : memref<1x2x128xi32, #tpu.memory_space<hbm>> -> memref<2x128xi32, #tpu.memory_space<hbm>>
      %dma_wait3A_598 = arith.constant 0 : i32
      %dma_wait3A_599 = arith.constant 0 : i32
      %dma_wait3A_600 = tpu.memref_slice %arg3[%add3A, %dma_wait3A_598, %dma_wait3A_599] : memref<2562x2x128xi32, #tpu.memory_space<hbm>> -> memref<1x2x128xi32, #tpu.memory_space<hbm>>
      %dma_wait3A_601 = tpu.memref_squeeze %dma_wait3A_600 : memref<1x2x128xi32, #tpu.memory_space<hbm>> -> memref<2x128xi32, #tpu.memory_space<hbm>>
      tpu.wait_dma2 semaphore(%arg14 : memref<!tpu.dma_semaphore, #tpu.memory_space<semaphore_mem>>) src(%dma_wait3A_601 : memref<2x128xi32, #tpu.memory_space<hbm>>) dst(%arg7 : memref<2x128xi32, #tpu.memory_space<vmem>>)
      %dma_wait3A_602 = arith.constant 1 : i32
      %dma_wait3A_603 = arith.constant 0 : i32
      %dma_wait3A_604 = tpu.memref_slice %arg5[%dma_wait3A_602, %dma_wait3A_603] : memref<2x128xi32, #tpu.memory_space<vmem>> -> memref<1x128xi32, #tpu.memory_space<vmem>>
      %dma_wait3A_605 = tpu.memref_squeeze %dma_wait3A_604 : memref<1x128xi32, #tpu.memory_space<vmem>> -> memref<128xi32, #tpu.memory_space<vmem>>
      %dma_wait3A_606 = arith.constant 0 : i32
      %dma_wait3A_607 = arith.constant 0 : i32
      %dma_wait3A_608 = tpu.memref_slice %arg11[%dma_wait3A_606, %dma_wait3A_607] : memref<10112x128xf32, #tpu.memory_space<vmem_shared>> -> memref<10112x128xf32, #tpu.memory_space<vmem_shared>>
      tpu.wait_indirect_dma semaphore(%arg18 : memref<!tpu.dma_semaphore, #tpu.memory_space<semaphore_mem>>) src(%arg9 : memref<128x128xf32, #tpu.memory_space<vmem>>) dst(%dma_wait3A_608 : memref<10112x128xf32, #tpu.memory_space<vmem_shared>>)
      %dma_start3A_609 = arith.constant 0 : i32
      %dma_start3A_610 = arith.constant 0 : i32
      %dma_start3A_611 = tpu.memref_slice %arg7[%dma_start3A_609, %dma_start3A_610] : memref<2x128xi32, #tpu.memory_space<vmem>> -> memref<1x128xi32, #tpu.memory_space<vmem>>
      %dma_start3A_612 = tpu.memref_squeeze %dma_start3A_611 : memref<1x128xi32, #tpu.memory_space<vmem>> -> memref<128xi32, #tpu.memory_space<vmem>>
      %dma_start3A_613 = arith.constant 0 : i32
      %dma_start3A_614 = arith.constant 0 : i32
      %dma_start3A_615 = tpu.memref_slice %arg2[%dma_start3A_613, %dma_start3A_614] : memref<80000x128xf32, #tpu.memory_space<hbm>> -> memref<80000x128xf32, #tpu.memory_space<hbm>>
      tpu.enqueue_indirect_dma source(%dma_start3A_615 : memref<80000x128xf32, #tpu.memory_space<hbm>>) target(%arg9 : memref<128x128xf32, #tpu.memory_space<vmem>>) offsets(%dma_start3A_612 : memref<128xi32, #tpu.memory_space<vmem>>) semaphore(%arg16 : memref<!tpu.dma_semaphore, #tpu.memory_space<semaphore_mem>>)
      %add3A_616 = arith.constant 2 : i32
      %add3A_617 = arith.addi %add3A_593, %add3A_616 : i32
      %add3A_618 = arith.addi %add3A, %add3A_617 : i32
      %dma_start3A_619 = arith.constant 0 : i32
      %dma_start3A_620 = arith.constant 0 : i32
      %dma_start3A_621 = tpu.memref_slice %arg3[%add3A_618, %dma_start3A_619, %dma_start3A_620] : memref<2562x2x128xi32, #tpu.memory_space<hbm>> -> memref<1x2x128xi32, #tpu.memory_space<hbm>>
      %dma_start3A_622 = tpu.memref_squeeze %dma_start3A_621 : memref<1x2x128xi32, #tpu.memory_space<hbm>> -> memref<2x128xi32, #tpu.memory_space<hbm>>
      %dma_start3A_623 = arith.constant 0 : i32
      %dma_start3A_624 = arith.constant 0 : i32
      %dma_start3A_625 = tpu.memref_slice %arg3[%add3A_618, %dma_start3A_623, %dma_start3A_624] : memref<2562x2x128xi32, #tpu.memory_space<hbm>> -> memref<1x2x128xi32, #tpu.memory_space<hbm>>
      %dma_start3A_626 = tpu.memref_squeeze %dma_start3A_625 : memref<1x2x128xi32, #tpu.memory_space<hbm>> -> memref<2x128xi32, #tpu.memory_space<hbm>>
      tpu.enqueue_dma source(%dma_start3A_626 : memref<2x128xi32, #tpu.memory_space<hbm>>) target(%arg5 : memref<2x128xi32, #tpu.memory_space<vmem>>) target_semaphore(%arg12 : memref<!tpu.dma_semaphore, #tpu.memory_space<semaphore_mem>>)
      %dma_wait3A_627 = arith.constant 0 : i32
      %dma_wait3A_628 = arith.constant 0 : i32
      %dma_wait3A_629 = tpu.memref_slice %arg6[%dma_wait3A_627, %dma_wait3A_628] : memref<2x128xi32, #tpu.memory_space<vmem>> -> memref<1x128xi32, #tpu.memory_space<vmem>>
      %dma_wait3A_630 = tpu.memref_squeeze %dma_wait3A_629 : memref<1x128xi32, #tpu.memory_space<vmem>> -> memref<128xi32, #tpu.memory_space<vmem>>
      %dma_wait3A_631 = arith.constant 0 : i32
      %dma_wait3A_632 = arith.constant 0 : i32
      %dma_wait3A_633 = tpu.memref_slice %arg2[%dma_wait3A_631, %dma_wait3A_632] : memref<80000x128xf32, #tpu.memory_space<hbm>> -> memref<80000x128xf32, #tpu.memory_space<hbm>>
      tpu.wait_indirect_dma semaphore(%arg17 : memref<!tpu.dma_semaphore, #tpu.memory_space<semaphore_mem>>) src(%dma_wait3A_633 : memref<80000x128xf32, #tpu.memory_space<hbm>>) dst(%arg10 : memref<128x128xf32, #tpu.memory_space<vmem>>)
      %dma_start3A_634 = arith.constant 1 : i32
      %dma_start3A_635 = arith.constant 0 : i32
      %dma_start3A_636 = tpu.memref_slice %arg6[%dma_start3A_634, %dma_start3A_635] : memref<2x128xi32, #tpu.memory_space<vmem>> -> memref<1x128xi32, #tpu.memory_space<vmem>>
      %dma_start3A_637 = tpu.memref_squeeze %dma_start3A_636 : memref<1x128xi32, #tpu.memory_space<vmem>> -> memref<128xi32, #tpu.memory_space<vmem>>
      %dma_start3A_638 = arith.constant 0 : i32
      %dma_start3A_639 = arith.constant 0 : i32
      %dma_start3A_640 = tpu.memref_slice %arg11[%dma_start3A_638, %dma_start3A_639] : memref<10112x128xf32, #tpu.memory_space<vmem_shared>> -> memref<10112x128xf32, #tpu.memory_space<vmem_shared>>
      tpu.enqueue_indirect_dma source(%arg10 : memref<128x128xf32, #tpu.memory_space<vmem>>) target(%dma_start3A_640 : memref<10112x128xf32, #tpu.memory_space<vmem_shared>>) offsets(%dma_start3A_637 : memref<128xi32, #tpu.memory_space<vmem>>) semaphore(%arg19 : memref<!tpu.dma_semaphore, #tpu.memory_space<semaphore_mem>>) {add = true}
      %add3A_641 = arith.constant 3 : i32
      %add3A_642 = arith.addi %mul3A_493, %add3A_641 : i32
      %dma_wait3A_643 = arith.constant 0 : i32
      %dma_wait3A_644 = arith.constant 0 : i32
      %dma_wait3A_645 = tpu.memref_slice %arg3[%add3A, %dma_wait3A_643, %dma_wait3A_644] : memref<2562x2x128xi32, #tpu.memory_space<hbm>> -> memref<1x2x128xi32, #tpu.memory_space<hbm>>
      %dma_wait3A_646 = tpu.memref_squeeze %dma_wait3A_645 : memref<1x2x128xi32, #tpu.memory_space<hbm>> -> memref<2x128xi32, #tpu.memory_space<hbm>>
      %dma_wait3A_647 = arith.constant 0 : i32
      %dma_wait3A_648 = arith.constant 0 : i32
      %dma_wait3A_649 = tpu.memref_slice %arg3[%add3A, %dma_wait3A_647, %dma_wait3A_648] : memref<2562x2x128xi32, #tpu.memory_space<hbm>> -> memref<1x2x128xi32, #tpu.memory_space<hbm>>
      %dma_wait3A_650 = tpu.memref_squeeze %dma_wait3A_649 : memref<1x2x128xi32, #tpu.memory_space<hbm>> -> memref<2x128xi32, #tpu.memory_space<hbm>>
      tpu.wait_dma2 semaphore(%arg15 : memref<!tpu.dma_semaphore, #tpu.memory_space<semaphore_mem>>) src(%dma_wait3A_650 : memref<2x128xi32, #tpu.memory_space<hbm>>) dst(%arg8 : memref<2x128xi32, #tpu.memory_space<vmem>>)
      %dma_wait3A_651 = arith.constant 1 : i32
      %dma_wait3A_652 = arith.constant 0 : i32
      %dma_wait3A_653 = tpu.memref_slice %arg6[%dma_wait3A_651, %dma_wait3A_652] : memref<2x128xi32, #tpu.memory_space<vmem>> -> memref<1x128xi32, #tpu.memory_space<vmem>>
      %dma_wait3A_654 = tpu.memref_squeeze %dma_wait3A_653 : memref<1x128xi32, #tpu.memory_space<vmem>> -> memref<128xi32, #tpu.memory_space<vmem>>
      %dma_wait3A_655 = arith.constant 0 : i32
      %dma_wait3A_656 = arith.constant 0 : i32
      %dma_wait3A_657 = tpu.memref_slice %arg11[%dma_wait3A_655, %dma_wait3A_656] : memref<10112x128xf32, #tpu.memory_space<vmem_shared>> -> memref<10112x128xf32, #tpu.memory_space<vmem_shared>>
      tpu.wait_indirect_dma semaphore(%arg19 : memref<!tpu.dma_semaphore, #tpu.memory_space<semaphore_mem>>) src(%arg10 : memref<128x128xf32, #tpu.memory_space<vmem>>) dst(%dma_wait3A_657 : memref<10112x128xf32, #tpu.memory_space<vmem_shared>>)
      %dma_start3A_658 = arith.constant 0 : i32
      %dma_start3A_659 = arith.constant 0 : i32
      %dma_start3A_660 = tpu.memref_slice %arg8[%dma_start3A_658, %dma_start3A_659] : memref<2x128xi32, #tpu.memory_space<vmem>> -> memref<1x128xi32, #tpu.memory_space<vmem>>
      %dma_start3A_661 = tpu.memref_squeeze %dma_start3A_660 : memref<1x128xi32, #tpu.memory_space<vmem>> -> memref<128xi32, #tpu.memory_space<vmem>>
      %dma_start3A_662 = arith.constant 0 : i32
      %dma_start3A_663 = arith.constant 0 : i32
      %dma_start3A_664 = tpu.memref_slice %arg2[%dma_start3A_662, %dma_start3A_663] : memref<80000x128xf32, #tpu.memory_space<hbm>> -> memref<80000x128xf32, #tpu.memory_space<hbm>>
      tpu.enqueue_indirect_dma source(%dma_start3A_664 : memref<80000x128xf32, #tpu.memory_space<hbm>>) target(%arg10 : memref<128x128xf32, #tpu.memory_space<vmem>>) offsets(%dma_start3A_661 : memref<128xi32, #tpu.memory_space<vmem>>) semaphore(%arg17 : memref<!tpu.dma_semaphore, #tpu.memory_space<semaphore_mem>>)
      %add3A_665 = arith.constant 2 : i32
      %add3A_666 = arith.addi %add3A_642, %add3A_665 : i32
      %add3A_667 = arith.addi %add3A, %add3A_666 : i32
      %dma_start3A_668 = arith.constant 0 : i32
      %dma_start3A_669 = arith.constant 0 : i32
      %dma_start3A_670 = tpu.memref_slice %arg3[%add3A_667, %dma_start3A_668, %dma_start3A_669] : memref<2562x2x128xi32, #tpu.memory_space<hbm>> -> memref<1x2x128xi32, #tpu.memory_space<hbm>>
      %dma_start3A_671 = tpu.memref_squeeze %dma_start3A_670 : memref<1x2x128xi32, #tpu.memory_space<hbm>> -> memref<2x128xi32, #tpu.memory_space<hbm>>
      %dma_start3A_672 = arith.constant 0 : i32
      %dma_start3A_673 = arith.constant 0 : i32
      %dma_start3A_674 = tpu.memref_slice %arg3[%add3A_667, %dma_start3A_672, %dma_start3A_673] : memref<2562x2x128xi32, #tpu.memory_space<hbm>> -> memref<1x2x128xi32, #tpu.memory_space<hbm>>
      %dma_start3A_675 = tpu.memref_squeeze %dma_start3A_674 : memref<1x2x128xi32, #tpu.memory_space<hbm>> -> memref<2x128xi32, #tpu.memory_space<hbm>>
      tpu.enqueue_dma source(%dma_start3A_675 : memref<2x128xi32, #tpu.memory_space<hbm>>) target(%arg6 : memref<2x128xi32, #tpu.memory_space<vmem>>) target_semaphore(%arg13 : memref<!tpu.dma_semaphore, #tpu.memory_space<semaphore_mem>>)
      %dma_wait3A_676 = arith.constant 0 : i32
      %dma_wait3A_677 = arith.constant 0 : i32
      %dma_wait3A_678 = tpu.memref_slice %arg7[%dma_wait3A_676, %dma_wait3A_677] : memref<2x128xi32, #tpu.memory_space<vmem>> -> memref<1x128xi32, #tpu.memory_space<vmem>>
      %dma_wait3A_679 = tpu.memref_squeeze %dma_wait3A_678 : memref<1x128xi32, #tpu.memory_space<vmem>> -> memref<128xi32, #tpu.memory_space<vmem>>
      %dma_wait3A_680 = arith.constant 0 : i32
      %dma_wait3A_681 = arith.constant 0 : i32
      %dma_wait3A_682 = tpu.memref_slice %arg2[%dma_wait3A_680, %dma_wait3A_681] : memref<80000x128xf32, #tpu.memory_space<hbm>> -> memref<80000x128xf32, #tpu.memory_space<hbm>>
      tpu.wait_indirect_dma semaphore(%arg16 : memref<!tpu.dma_semaphore, #tpu.memory_space<semaphore_mem>>) src(%dma_wait3A_682 : memref<80000x128xf32, #tpu.memory_space<hbm>>) dst(%arg9 : memref<128x128xf32, #tpu.memory_space<vmem>>)
      %dma_start3A_683 = arith.constant 1 : i32
      %dma_start3A_684 = arith.constant 0 : i32
      %dma_start3A_685 = tpu.memref_slice %arg7[%dma_start3A_683, %dma_start3A_684] : memref<2x128xi32, #tpu.memory_space<vmem>> -> memref<1x128xi32, #tpu.memory_space<vmem>>
      %dma_start3A_686 = tpu.memref_squeeze %dma_start3A_685 : memref<1x128xi32, #tpu.memory_space<vmem>> -> memref<128xi32, #tpu.memory_space<vmem>>
      %dma_start3A_687 = arith.constant 0 : i32
      %dma_start3A_688 = arith.constant 0 : i32
      %dma_start3A_689 = tpu.memref_slice %arg11[%dma_start3A_687, %dma_start3A_688] : memref<10112x128xf32, #tpu.memory_space<vmem_shared>> -> memref<10112x128xf32, #tpu.memory_space<vmem_shared>>
      tpu.enqueue_indirect_dma source(%arg9 : memref<128x128xf32, #tpu.memory_space<vmem>>) target(%dma_start3A_689 : memref<10112x128xf32, #tpu.memory_space<vmem_shared>>) offsets(%dma_start3A_686 : memref<128xi32, #tpu.memory_space<vmem>>) semaphore(%arg18 : memref<!tpu.dma_semaphore, #tpu.memory_space<semaphore_mem>>) {add = true}
    }
    %dma_wait3A_332 = arith.constant 0 : i32
    %dma_wait3A_333 = arith.constant 0 : i32
    %dma_wait3A_334 = tpu.memref_slice %arg8[%dma_wait3A_332, %dma_wait3A_333] : memref<2x128xi32, #tpu.memory_space<vmem>> -> memref<1x128xi32, #tpu.memory_space<vmem>>
    %dma_wait3A_335 = tpu.memref_squeeze %dma_wait3A_334 : memref<1x128xi32, #tpu.memory_space<vmem>> -> memref<128xi32, #tpu.memory_space<vmem>>
    %dma_wait3A_336 = arith.constant 0 : i32
    %dma_wait3A_337 = arith.constant 0 : i32
    %dma_wait3A_338 = tpu.memref_slice %arg2[%dma_wait3A_336, %dma_wait3A_337] : memref<80000x128xf32, #tpu.memory_space<hbm>> -> memref<80000x128xf32, #tpu.memory_space<hbm>>
    tpu.wait_indirect_dma semaphore(%arg17 : memref<!tpu.dma_semaphore, #tpu.memory_space<semaphore_mem>>) src(%dma_wait3A_338 : memref<80000x128xf32, #tpu.memory_space<hbm>>) dst(%arg10 : memref<128x128xf32, #tpu.memory_space<vmem>>)
    %dma_start3A_339 = arith.constant 1 : i32
    %dma_start3A_340 = arith.constant 0 : i32
    %dma_start3A_341 = tpu.memref_slice %arg8[%dma_start3A_339, %dma_start3A_340] : memref<2x128xi32, #tpu.memory_space<vmem>> -> memref<1x128xi32, #tpu.memory_space<vmem>>
    %dma_start3A_342 = tpu.memref_squeeze %dma_start3A_341 : memref<1x128xi32, #tpu.memory_space<vmem>> -> memref<128xi32, #tpu.memory_space<vmem>>
    %dma_start3A_343 = arith.constant 0 : i32
    %dma_start3A_344 = arith.constant 0 : i32
    %dma_start3A_345 = tpu.memref_slice %arg11[%dma_start3A_343, %dma_start3A_344] : memref<10112x128xf32, #tpu.memory_space<vmem_shared>> -> memref<10112x128xf32, #tpu.memory_space<vmem_shared>>
    tpu.enqueue_indirect_dma source(%arg10 : memref<128x128xf32, #tpu.memory_space<vmem>>) target(%dma_start3A_345 : memref<10112x128xf32, #tpu.memory_space<vmem_shared>>) offsets(%dma_start3A_342 : memref<128xi32, #tpu.memory_space<vmem>>) semaphore(%arg19 : memref<!tpu.dma_semaphore, #tpu.memory_space<semaphore_mem>>) {add = true}
    %dma_wait3A_346 = arith.constant 1 : i32
    %dma_wait3A_347 = arith.constant 0 : i32
    %dma_wait3A_348 = tpu.memref_slice %arg7[%dma_wait3A_346, %dma_wait3A_347] : memref<2x128xi32, #tpu.memory_space<vmem>> -> memref<1x128xi32, #tpu.memory_space<vmem>>
    %dma_wait3A_349 = tpu.memref_squeeze %dma_wait3A_348 : memref<1x128xi32, #tpu.memory_space<vmem>> -> memref<128xi32, #tpu.memory_space<vmem>>
    %dma_wait3A_350 = arith.constant 0 : i32
    %dma_wait3A_351 = arith.constant 0 : i32
    %dma_wait3A_352 = tpu.memref_slice %arg11[%dma_wait3A_350, %dma_wait3A_351] : memref<10112x128xf32, #tpu.memory_space<vmem_shared>> -> memref<10112x128xf32, #tpu.memory_space<vmem_shared>>
    tpu.wait_indirect_dma semaphore(%arg18 : memref<!tpu.dma_semaphore, #tpu.memory_space<semaphore_mem>>) src(%arg9 : memref<128x128xf32, #tpu.memory_space<vmem>>) dst(%dma_wait3A_352 : memref<10112x128xf32, #tpu.memory_space<vmem_shared>>)
    %dma_wait3A_353 = arith.constant 1 : i32
    %dma_wait3A_354 = arith.constant 0 : i32
    %dma_wait3A_355 = tpu.memref_slice %arg8[%dma_wait3A_353, %dma_wait3A_354] : memref<2x128xi32, #tpu.memory_space<vmem>> -> memref<1x128xi32, #tpu.memory_space<vmem>>
    %dma_wait3A_356 = tpu.memref_squeeze %dma_wait3A_355 : memref<1x128xi32, #tpu.memory_space<vmem>> -> memref<128xi32, #tpu.memory_space<vmem>>
    %dma_wait3A_357 = arith.constant 0 : i32
    %dma_wait3A_358 = arith.constant 0 : i32
    %dma_wait3A_359 = tpu.memref_slice %arg11[%dma_wait3A_357, %dma_wait3A_358] : memref<10112x128xf32, #tpu.memory_space<vmem_shared>> -> memref<10112x128xf32, #tpu.memory_space<vmem_shared>>
    tpu.wait_indirect_dma semaphore(%arg19 : memref<!tpu.dma_semaphore, #tpu.memory_space<semaphore_mem>>) src(%arg10 : memref<128x128xf32, #tpu.memory_space<vmem>>) dst(%dma_wait3A_359 : memref<10112x128xf32, #tpu.memory_space<vmem_shared>>)
    %dma_wait3A_360 = arith.constant 0 : i32
    %dma_wait3A_361 = arith.constant 0 : i32
    %dma_wait3A_362 = tpu.memref_slice %arg3[%add3A, %dma_wait3A_360, %dma_wait3A_361] : memref<2562x2x128xi32, #tpu.memory_space<hbm>> -> memref<1x2x128xi32, #tpu.memory_space<hbm>>
    %dma_wait3A_363 = tpu.memref_squeeze %dma_wait3A_362 : memref<1x2x128xi32, #tpu.memory_space<hbm>> -> memref<2x128xi32, #tpu.memory_space<hbm>>
    %dma_wait3A_364 = arith.constant 0 : i32
    %dma_wait3A_365 = arith.constant 0 : i32
    %dma_wait3A_366 = tpu.memref_slice %arg3[%add3A, %dma_wait3A_364, %dma_wait3A_365] : memref<2562x2x128xi32, #tpu.memory_space<hbm>> -> memref<1x2x128xi32, #tpu.memory_space<hbm>>
    %dma_wait3A_367 = tpu.memref_squeeze %dma_wait3A_366 : memref<1x2x128xi32, #tpu.memory_space<hbm>> -> memref<2x128xi32, #tpu.memory_space<hbm>>
    tpu.wait_dma2 semaphore(%arg12 : memref<!tpu.dma_semaphore, #tpu.memory_space<semaphore_mem>>) src(%dma_wait3A_367 : memref<2x128xi32, #tpu.memory_space<hbm>>) dst(%arg5 : memref<2x128xi32, #tpu.memory_space<vmem>>)
    %dma_wait3A_368 = arith.constant 0 : i32
    %dma_wait3A_369 = arith.constant 0 : i32
    %dma_wait3A_370 = tpu.memref_slice %arg3[%add3A, %dma_wait3A_368, %dma_wait3A_369] : memref<2562x2x128xi32, #tpu.memory_space<hbm>> -> memref<1x2x128xi32, #tpu.memory_space<hbm>>
    %dma_wait3A_371 = tpu.memref_squeeze %dma_wait3A_370 : memref<1x2x128xi32, #tpu.memory_space<hbm>> -> memref<2x128xi32, #tpu.memory_space<hbm>>
    %dma_wait3A_372 = arith.constant 0 : i32
    %dma_wait3A_373 = arith.constant 0 : i32
    %dma_wait3A_374 = tpu.memref_slice %arg3[%add3A, %dma_wait3A_372, %dma_wait3A_373] : memref<2562x2x128xi32, #tpu.memory_space<hbm>> -> memref<1x2x128xi32, #tpu.memory_space<hbm>>
    %dma_wait3A_375 = tpu.memref_squeeze %dma_wait3A_374 : memref<1x2x128xi32, #tpu.memory_space<hbm>> -> memref<2x128xi32, #tpu.memory_space<hbm>>
    tpu.wait_dma2 semaphore(%arg13 : memref<!tpu.dma_semaphore, #tpu.memory_space<semaphore_mem>>) src(%dma_wait3A_375 : memref<2x128xi32, #tpu.memory_space<hbm>>) dst(%arg6 : memref<2x128xi32, #tpu.memory_space<vmem>>)
    %barrier3A_376 = arith.constant 0 : index
    tpu.barrier barrier_id(%barrier3A_376)
    %add3A_377 = arith.constant 0 : i32
    %add3A_378 = arith.addi %mul3A_0, %add3A_377 : i32
    %add3A_379 = arith.constant 0 : i32
    %add3A_380 = arith.addi %mul3A_0, %add3A_379 : i32
    %dma_start3A_381 = arith.constant 0 : i32
    %dma_start3A_382 = tpu.memref_slice %arg4[%arg0, %add3A_380, %dma_start3A_381] : memref<2x10112x128xf32, #tpu.memory_space<hbm>> -> memref<1x80x128xf32, #tpu.memory_space<hbm>>
    %dma_start3A_383 = tpu.memref_squeeze %dma_start3A_382 : memref<1x80x128xf32, #tpu.memory_space<hbm>> -> memref<80x128xf32, #tpu.memory_space<hbm>>
    %dma_start3A_384 = arith.constant 0 : i32
    %dma_start3A_385 = tpu.memref_slice %arg11[%add3A_378, %dma_start3A_384] : memref<10112x128xf32, #tpu.memory_space<vmem_shared>> -> memref<80x128xf32, #tpu.memory_space<vmem_shared>>
    tpu.enqueue_dma source(%dma_start3A_385 : memref<80x128xf32, #tpu.memory_space<vmem_shared>>) target(%dma_start3A_383 : memref<80x128xf32, #tpu.memory_space<hbm>>) target_semaphore(%arg12 : memref<!tpu.dma_semaphore, #tpu.memory_space<semaphore_mem>>)
    %add3A_386 = arith.constant 80 : i32
    %add3A_387 = arith.addi %mul3A_0, %add3A_386 : i32
    %add3A_388 = arith.constant 80 : i32
    %add3A_389 = arith.addi %mul3A_0, %add3A_388 : i32
    %dma_start3A_390 = arith.constant 0 : i32
    %dma_start3A_391 = tpu.memref_slice %arg4[%arg0, %add3A_389, %dma_start3A_390] : memref<2x10112x128xf32, #tpu.memory_space<hbm>> -> memref<1x80x128xf32, #tpu.memory_space<hbm>>
    %dma_start3A_392 = tpu.memref_squeeze %dma_start3A_391 : memref<1x80x128xf32, #tpu.memory_space<hbm>> -> memref<80x128xf32, #tpu.memory_space<hbm>>
    %dma_start3A_393 = arith.constant 0 : i32
    %dma_start3A_394 = tpu.memref_slice %arg11[%add3A_387, %dma_start3A_393] : memref<10112x128xf32, #tpu.memory_space<vmem_shared>> -> memref<80x128xf32, #tpu.memory_space<vmem_shared>>
    tpu.enqueue_dma source(%dma_start3A_394 : memref<80x128xf32, #tpu.memory_space<vmem_shared>>) target(%dma_start3A_392 : memref<80x128xf32, #tpu.memory_space<hbm>>) target_semaphore(%arg13 : memref<!tpu.dma_semaphore, #tpu.memory_space<semaphore_mem>>)
    %add3A_395 = arith.constant 160 : i32
    %add3A_396 = arith.addi %mul3A_0, %add3A_395 : i32
    %add3A_397 = arith.constant 160 : i32
    %add3A_398 = arith.addi %mul3A_0, %add3A_397 : i32
    %dma_start3A_399 = arith.constant 0 : i32
    %dma_start3A_400 = tpu.memref_slice %arg4[%arg0, %add3A_398, %dma_start3A_399] : memref<2x10112x128xf32, #tpu.memory_space<hbm>> -> memref<1x80x128xf32, #tpu.memory_space<hbm>>
    %dma_start3A_401 = tpu.memref_squeeze %dma_start3A_400 : memref<1x80x128xf32, #tpu.memory_space<hbm>> -> memref<80x128xf32, #tpu.memory_space<hbm>>
    %dma_start3A_402 = arith.constant 0 : i32
    %dma_start3A_403 = tpu.memref_slice %arg11[%add3A_396, %dma_start3A_402] : memref<10112x128xf32, #tpu.memory_space<vmem_shared>> -> memref<80x128xf32, #tpu.memory_space<vmem_shared>>
    tpu.enqueue_dma source(%dma_start3A_403 : memref<80x128xf32, #tpu.memory_space<vmem_shared>>) target(%dma_start3A_401 : memref<80x128xf32, #tpu.memory_space<hbm>>) target_semaphore(%arg14 : memref<!tpu.dma_semaphore, #tpu.memory_space<semaphore_mem>>)
    %add3A_404 = arith.constant 240 : i32
    %add3A_405 = arith.addi %mul3A_0, %add3A_404 : i32
    %add3A_406 = arith.constant 240 : i32
    %add3A_407 = arith.addi %mul3A_0, %add3A_406 : i32
    %dma_start3A_408 = arith.constant 0 : i32
    %dma_start3A_409 = tpu.memref_slice %arg4[%arg0, %add3A_407, %dma_start3A_408] : memref<2x10112x128xf32, #tpu.memory_space<hbm>> -> memref<1x80x128xf32, #tpu.memory_space<hbm>>
    %dma_start3A_410 = tpu.memref_squeeze %dma_start3A_409 : memref<1x80x128xf32, #tpu.memory_space<hbm>> -> memref<80x128xf32, #tpu.memory_space<hbm>>
    %dma_start3A_411 = arith.constant 0 : i32
    %dma_start3A_412 = tpu.memref_slice %arg11[%add3A_405, %dma_start3A_411] : memref<10112x128xf32, #tpu.memory_space<vmem_shared>> -> memref<80x128xf32, #tpu.memory_space<vmem_shared>>
    tpu.enqueue_dma source(%dma_start3A_412 : memref<80x128xf32, #tpu.memory_space<vmem_shared>>) target(%dma_start3A_410 : memref<80x128xf32, #tpu.memory_space<hbm>>) target_semaphore(%arg15 : memref<!tpu.dma_semaphore, #tpu.memory_space<semaphore_mem>>)
    %add3A_413 = arith.constant 320 : i32
    %add3A_414 = arith.addi %mul3A_0, %add3A_413 : i32
    %add3A_415 = arith.constant 320 : i32
    %add3A_416 = arith.addi %mul3A_0, %add3A_415 : i32
    %dma_start3A_417 = arith.constant 0 : i32
    %dma_start3A_418 = tpu.memref_slice %arg4[%arg0, %add3A_416, %dma_start3A_417] : memref<2x10112x128xf32, #tpu.memory_space<hbm>> -> memref<1x80x128xf32, #tpu.memory_space<hbm>>
    %dma_start3A_419 = tpu.memref_squeeze %dma_start3A_418 : memref<1x80x128xf32, #tpu.memory_space<hbm>> -> memref<80x128xf32, #tpu.memory_space<hbm>>
    %dma_start3A_420 = arith.constant 0 : i32
    %dma_start3A_421 = tpu.memref_slice %arg11[%add3A_414, %dma_start3A_420] : memref<10112x128xf32, #tpu.memory_space<vmem_shared>> -> memref<80x128xf32, #tpu.memory_space<vmem_shared>>
    tpu.enqueue_dma source(%dma_start3A_421 : memref<80x128xf32, #tpu.memory_space<vmem_shared>>) target(%dma_start3A_419 : memref<80x128xf32, #tpu.memory_space<hbm>>) target_semaphore(%arg12 : memref<!tpu.dma_semaphore, #tpu.memory_space<semaphore_mem>>)
    %add3A_422 = arith.constant 400 : i32
    %add3A_423 = arith.addi %mul3A_0, %add3A_422 : i32
    %add3A_424 = arith.constant 400 : i32
    %add3A_425 = arith.addi %mul3A_0, %add3A_424 : i32
    %dma_start3A_426 = arith.constant 0 : i32
    %dma_start3A_427 = tpu.memref_slice %arg4[%arg0, %add3A_425, %dma_start3A_426] : memref<2x10112x128xf32, #tpu.memory_space<hbm>> -> memref<1x80x128xf32, #tpu.memory_space<hbm>>
    %dma_start3A_428 = tpu.memref_squeeze %dma_start3A_427 : memref<1x80x128xf32, #tpu.memory_space<hbm>> -> memref<80x128xf32, #tpu.memory_space<hbm>>
    %dma_start3A_429 = arith.constant 0 : i32
    %dma_start3A_430 = tpu.memref_slice %arg11[%add3A_423, %dma_start3A_429] : memref<10112x128xf32, #tpu.memory_space<vmem_shared>> -> memref<80x128xf32, #tpu.memory_space<vmem_shared>>
    tpu.enqueue_dma source(%dma_start3A_430 : memref<80x128xf32, #tpu.memory_space<vmem_shared>>) target(%dma_start3A_428 : memref<80x128xf32, #tpu.memory_space<hbm>>) target_semaphore(%arg13 : memref<!tpu.dma_semaphore, #tpu.memory_space<semaphore_mem>>)
    %add3A_431 = arith.constant 480 : i32
    %add3A_432 = arith.addi %mul3A_0, %add3A_431 : i32
    %add3A_433 = arith.constant 480 : i32
    %add3A_434 = arith.addi %mul3A_0, %add3A_433 : i32
    %dma_start3A_435 = arith.constant 0 : i32
    %dma_start3A_436 = tpu.memref_slice %arg4[%arg0, %add3A_434, %dma_start3A_435] : memref<2x10112x128xf32, #tpu.memory_space<hbm>> -> memref<1x80x128xf32, #tpu.memory_space<hbm>>
    %dma_start3A_437 = tpu.memref_squeeze %dma_start3A_436 : memref<1x80x128xf32, #tpu.memory_space<hbm>> -> memref<80x128xf32, #tpu.memory_space<hbm>>
    %dma_start3A_438 = arith.constant 0 : i32
    %dma_start3A_439 = tpu.memref_slice %arg11[%add3A_432, %dma_start3A_438] : memref<10112x128xf32, #tpu.memory_space<vmem_shared>> -> memref<80x128xf32, #tpu.memory_space<vmem_shared>>
    tpu.enqueue_dma source(%dma_start3A_439 : memref<80x128xf32, #tpu.memory_space<vmem_shared>>) target(%dma_start3A_437 : memref<80x128xf32, #tpu.memory_space<hbm>>) target_semaphore(%arg14 : memref<!tpu.dma_semaphore, #tpu.memory_space<semaphore_mem>>)
    %add3A_440 = arith.constant 560 : i32
    %add3A_441 = arith.addi %mul3A_0, %add3A_440 : i32
    %add3A_442 = arith.constant 560 : i32
    %add3A_443 = arith.addi %mul3A_0, %add3A_442 : i32
    %dma_start3A_444 = arith.constant 0 : i32
    %dma_start3A_445 = tpu.memref_slice %arg4[%arg0, %add3A_443, %dma_start3A_444] : memref<2x10112x128xf32, #tpu.memory_space<hbm>> -> memref<1x72x128xf32, #tpu.memory_space<hbm>>
    %dma_start3A_446 = tpu.memref_squeeze %dma_start3A_445 : memref<1x72x128xf32, #tpu.memory_space<hbm>> -> memref<72x128xf32, #tpu.memory_space<hbm>>
    %dma_start3A_447 = arith.constant 0 : i32
    %dma_start3A_448 = tpu.memref_slice %arg11[%add3A_441, %dma_start3A_447] : memref<10112x128xf32, #tpu.memory_space<vmem_shared>> -> memref<72x128xf32, #tpu.memory_space<vmem_shared>>
    tpu.enqueue_dma source(%dma_start3A_448 : memref<72x128xf32, #tpu.memory_space<vmem_shared>>) target(%dma_start3A_446 : memref<72x128xf32, #tpu.memory_space<hbm>>) target_semaphore(%arg15 : memref<!tpu.dma_semaphore, #tpu.memory_space<semaphore_mem>>)
    %dma_wait3A_449 = arith.constant 0 : i32
    %dma_wait3A_450 = tpu.memref_slice %arg4[%arg0, %add3A_380, %dma_wait3A_449] : memref<2x10112x128xf32, #tpu.memory_space<hbm>> -> memref<1x80x128xf32, #tpu.memory_space<hbm>>
    %dma_wait3A_451 = tpu.memref_squeeze %dma_wait3A_450 : memref<1x80x128xf32, #tpu.memory_space<hbm>> -> memref<80x128xf32, #tpu.memory_space<hbm>>
    %dma_wait3A_452 = arith.constant 0 : i32
    %dma_wait3A_453 = tpu.memref_slice %arg11[%add3A_378, %dma_wait3A_452] : memref<10112x128xf32, #tpu.memory_space<vmem_shared>> -> memref<80x128xf32, #tpu.memory_space<vmem_shared>>
    tpu.wait_dma2 semaphore(%arg12 : memref<!tpu.dma_semaphore, #tpu.memory_space<semaphore_mem>>) src(%dma_wait3A_453 : memref<80x128xf32, #tpu.memory_space<vmem_shared>>) dst(%dma_wait3A_451 : memref<80x128xf32, #tpu.memory_space<hbm>>)
    %dma_wait3A_454 = arith.constant 0 : i32
    %dma_wait3A_455 = tpu.memref_slice %arg4[%arg0, %add3A_389, %dma_wait3A_454] : memref<2x10112x128xf32, #tpu.memory_space<hbm>> -> memref<1x80x128xf32, #tpu.memory_space<hbm>>
    %dma_wait3A_456 = tpu.memref_squeeze %dma_wait3A_455 : memref<1x80x128xf32, #tpu.memory_space<hbm>> -> memref<80x128xf32, #tpu.memory_space<hbm>>
    %dma_wait3A_457 = arith.constant 0 : i32
    %dma_wait3A_458 = tpu.memref_slice %arg11[%add3A_387, %dma_wait3A_457] : memref<10112x128xf32, #tpu.memory_space<vmem_shared>> -> memref<80x128xf32, #tpu.memory_space<vmem_shared>>
    tpu.wait_dma2 semaphore(%arg13 : memref<!tpu.dma_semaphore, #tpu.memory_space<semaphore_mem>>) src(%dma_wait3A_458 : memref<80x128xf32, #tpu.memory_space<vmem_shared>>) dst(%dma_wait3A_456 : memref<80x128xf32, #tpu.memory_space<hbm>>)
    %dma_wait3A_459 = arith.constant 0 : i32
    %dma_wait3A_460 = tpu.memref_slice %arg4[%arg0, %add3A_398, %dma_wait3A_459] : memref<2x10112x128xf32, #tpu.memory_space<hbm>> -> memref<1x80x128xf32, #tpu.memory_space<hbm>>
    %dma_wait3A_461 = tpu.memref_squeeze %dma_wait3A_460 : memref<1x80x128xf32, #tpu.memory_space<hbm>> -> memref<80x128xf32, #tpu.memory_space<hbm>>
    %dma_wait3A_462 = arith.constant 0 : i32
    %dma_wait3A_463 = tpu.memref_slice %arg11[%add3A_396, %dma_wait3A_462] : memref<10112x128xf32, #tpu.memory_space<vmem_shared>> -> memref<80x128xf32, #tpu.memory_space<vmem_shared>>
    tpu.wait_dma2 semaphore(%arg14 : memref<!tpu.dma_semaphore, #tpu.memory_space<semaphore_mem>>) src(%dma_wait3A_463 : memref<80x128xf32, #tpu.memory_space<vmem_shared>>) dst(%dma_wait3A_461 : memref<80x128xf32, #tpu.memory_space<hbm>>)
    %dma_wait3A_464 = arith.constant 0 : i32
    %dma_wait3A_465 = tpu.memref_slice %arg4[%arg0, %add3A_407, %dma_wait3A_464] : memref<2x10112x128xf32, #tpu.memory_space<hbm>> -> memref<1x80x128xf32, #tpu.memory_space<hbm>>
    %dma_wait3A_466 = tpu.memref_squeeze %dma_wait3A_465 : memref<1x80x128xf32, #tpu.memory_space<hbm>> -> memref<80x128xf32, #tpu.memory_space<hbm>>
    %dma_wait3A_467 = arith.constant 0 : i32
    %dma_wait3A_468 = tpu.memref_slice %arg11[%add3A_405, %dma_wait3A_467] : memref<10112x128xf32, #tpu.memory_space<vmem_shared>> -> memref<80x128xf32, #tpu.memory_space<vmem_shared>>
    tpu.wait_dma2 semaphore(%arg15 : memref<!tpu.dma_semaphore, #tpu.memory_space<semaphore_mem>>) src(%dma_wait3A_468 : memref<80x128xf32, #tpu.memory_space<vmem_shared>>) dst(%dma_wait3A_466 : memref<80x128xf32, #tpu.memory_space<hbm>>)
    %dma_wait3A_469 = arith.constant 0 : i32
    %dma_wait3A_470 = tpu.memref_slice %arg4[%arg0, %add3A_416, %dma_wait3A_469] : memref<2x10112x128xf32, #tpu.memory_space<hbm>> -> memref<1x80x128xf32, #tpu.memory_space<hbm>>
    %dma_wait3A_471 = tpu.memref_squeeze %dma_wait3A_470 : memref<1x80x128xf32, #tpu.memory_space<hbm>> -> memref<80x128xf32, #tpu.memory_space<hbm>>
    %dma_wait3A_472 = arith.constant 0 : i32
    %dma_wait3A_473 = tpu.memref_slice %arg11[%add3A_414, %dma_wait3A_472] : memref<10112x128xf32, #tpu.memory_space<vmem_shared>> -> memref<80x128xf32, #tpu.memory_space<vmem_shared>>
    tpu.wait_dma2 semaphore(%arg12 : memref<!tpu.dma_semaphore, #tpu.memory_space<semaphore_mem>>) src(%dma_wait3A_473 : memref<80x128xf32, #tpu.memory_space<vmem_shared>>) dst(%dma_wait3A_471 : memref<80x128xf32, #tpu.memory_space<hbm>>)
    %dma_wait3A_474 = arith.constant 0 : i32
    %dma_wait3A_475 = tpu.memref_slice %arg4[%arg0, %add3A_425, %dma_wait3A_474] : memref<2x10112x128xf32, #tpu.memory_space<hbm>> -> memref<1x80x128xf32, #tpu.memory_space<hbm>>
    %dma_wait3A_476 = tpu.memref_squeeze %dma_wait3A_475 : memref<1x80x128xf32, #tpu.memory_space<hbm>> -> memref<80x128xf32, #tpu.memory_space<hbm>>
    %dma_wait3A_477 = arith.constant 0 : i32
    %dma_wait3A_478 = tpu.memref_slice %arg11[%add3A_423, %dma_wait3A_477] : memref<10112x128xf32, #tpu.memory_space<vmem_shared>> -> memref<80x128xf32, #tpu.memory_space<vmem_shared>>
    tpu.wait_dma2 semaphore(%arg13 : memref<!tpu.dma_semaphore, #tpu.memory_space<semaphore_mem>>) src(%dma_wait3A_478 : memref<80x128xf32, #tpu.memory_space<vmem_shared>>) dst(%dma_wait3A_476 : memref<80x128xf32, #tpu.memory_space<hbm>>)
    %dma_wait3A_479 = arith.constant 0 : i32
    %dma_wait3A_480 = tpu.memref_slice %arg4[%arg0, %add3A_434, %dma_wait3A_479] : memref<2x10112x128xf32, #tpu.memory_space<hbm>> -> memref<1x80x128xf32, #tpu.memory_space<hbm>>
    %dma_wait3A_481 = tpu.memref_squeeze %dma_wait3A_480 : memref<1x80x128xf32, #tpu.memory_space<hbm>> -> memref<80x128xf32, #tpu.memory_space<hbm>>
    %dma_wait3A_482 = arith.constant 0 : i32
    %dma_wait3A_483 = tpu.memref_slice %arg11[%add3A_432, %dma_wait3A_482] : memref<10112x128xf32, #tpu.memory_space<vmem_shared>> -> memref<80x128xf32, #tpu.memory_space<vmem_shared>>
    tpu.wait_dma2 semaphore(%arg14 : memref<!tpu.dma_semaphore, #tpu.memory_space<semaphore_mem>>) src(%dma_wait3A_483 : memref<80x128xf32, #tpu.memory_space<vmem_shared>>) dst(%dma_wait3A_481 : memref<80x128xf32, #tpu.memory_space<hbm>>)
    %dma_wait3A_484 = arith.constant 0 : i32
    %dma_wait3A_485 = tpu.memref_slice %arg4[%arg0, %add3A_443, %dma_wait3A_484] : memref<2x10112x128xf32, #tpu.memory_space<hbm>> -> memref<1x72x128xf32, #tpu.memory_space<hbm>>
    %dma_wait3A_486 = tpu.memref_squeeze %dma_wait3A_485 : memref<1x72x128xf32, #tpu.memory_space<hbm>> -> memref<72x128xf32, #tpu.memory_space<hbm>>
    %dma_wait3A_487 = arith.constant 0 : i32
    %dma_wait3A_488 = tpu.memref_slice %arg11[%add3A_441, %dma_wait3A_487] : memref<10112x128xf32, #tpu.memory_space<vmem_shared>> -> memref<72x128xf32, #tpu.memory_space<vmem_shared>>
    tpu.wait_dma2 semaphore(%arg15 : memref<!tpu.dma_semaphore, #tpu.memory_space<semaphore_mem>>) src(%dma_wait3A_488 : memref<72x128xf32, #tpu.memory_space<vmem_shared>>) dst(%dma_wait3A_486 : memref<72x128xf32, #tpu.memory_space<hbm>>)
    return
  }
}

module attributes {stable_mosaic.version = 14 : i64} {
  func.func @_gidx_kernel(%arg0: i32, %arg1: memref<256x128xi32, #tpu.memory_space<vmem>>, %arg2: memref<256x128xi32, #tpu.memory_space<vmem>>, %arg3: memref<256x128xi32, #tpu.memory_space<vmem>>) attributes {dimension_semantics = [#tpu.dimension_semantics<arbitrary>], iteration_bounds = array<i64: 10>, scalar_prefetch = 0 : i64, scratch_operands = 0 : i64, tpu.core_type = #tpu.core_type<tc>, window_params = [{transform_indices = @transform_0, window_bounds = array<i64: 256, 128>}, {transform_indices = @transform_1, window_bounds = array<i64: 256, 128>}, {transform_indices = @transform_2, window_bounds = array<i64: 256, 128>}]} {
    %get3A = arith.constant 0 : index
    %get3A_0 = arith.constant 0 : index
    %get3A_1 = vector.load %arg2[%get3A, %get3A_0] : memref<256x128xi32, #tpu.memory_space<vmem>>, vector<256x128xi32>
    %mul3A = arith.constant 10000 : i32
    %mul3A_2 = vector.broadcast %mul3A : i32 to vector<256x128xi32>
    %mul3A_3 = arith.muli %get3A_1, %mul3A_2 : vector<256x128xi32>
    %get3A_4 = arith.constant 0 : index
    %get3A_5 = arith.constant 0 : index
    %get3A_6 = vector.load %arg1[%get3A_4, %get3A_5] : memref<256x128xi32, #tpu.memory_space<vmem>>, vector<256x128xi32>
    %add3A = arith.addi %mul3A_3, %get3A_6 : vector<256x128xi32>
    %swap3A = arith.constant 0 : index
    %swap3A_7 = arith.constant 0 : index
    %swap3A_8 = vector.load %arg3[%swap3A, %swap3A_7] : memref<256x128xi32, #tpu.memory_space<vmem>>, vector<256x128xi32>
    tpu.vector_store %arg3[%swap3A, %swap3A_7], %add3A {strides = array<i32>} : memref<256x128xi32, #tpu.memory_space<vmem>>, vector<256x128xi32>,
    return
  }
  func.func @transform_0(%arg0: i32) -> (i32, i32) {
    %c0_i32 = arith.constant 0 : i32
    %c0_i32_0 = arith.constant 0 : i32
    return %arg0, %c0_i32 : i32, i32
  }
  func.func @transform_1(%arg0: i32) -> (i32, i32) {
    %c0_i32 = arith.constant 0 : i32
    %c0_i32_0 = arith.constant 0 : i32
    return %arg0, %c0_i32 : i32, i32
  }
  func.func @transform_2(%arg0: i32) -> (i32, i32) {
    %c0_i32 = arith.constant 0 : i32
    %c0_i32_0 = arith.constant 0 : i32
    return %arg0, %c0_i32 : i32, i32
  }
}

module attributes {stable_mosaic.version = 14 : i64} {
  func.func @_transform_kernel(%arg0: i32, %arg1: i32, %arg2: memref<1000x128xf32, #tpu.memory_space<vmem>>, %arg3: memref<1x128x128xf32, #tpu.memory_space<vmem>>, %arg4: memref<1000x128xf32, #tpu.memory_space<vmem>>) attributes {dimension_semantics = [#tpu.dimension_semantics<arbitrary>, #tpu.dimension_semantics<arbitrary>], iteration_bounds = array<i64: 8, 10>, scalar_prefetch = 0 : i64, scratch_operands = 0 : i64, tpu.core_type = #tpu.core_type<tc>, window_params = [{transform_indices = @transform_0, window_bounds = array<i64: 1000, 128>}, {transform_indices = @transform_1, window_bounds = array<i64: 1, 128, 128>}, {transform_indices = @transform_2, window_bounds = array<i64: 1000, 128>}]} {
    %get3A = arith.constant 0 : index
    %get3A_0 = arith.constant 0 : index
    %get3A_1 = vector.load %arg2[%get3A, %get3A_0] : memref<1000x128xf32, #tpu.memory_space<vmem>>, vector<1000x128xf32>
    %get3A_2 = arith.constant 0 : index
    %get3A_3 = arith.constant 0 : index
    %get3A_4 = arith.constant 0 : index
    %get3A_5 = vector.load %arg3[%get3A_2, %get3A_3, %get3A_4] : memref<1x128x128xf32, #tpu.memory_space<vmem>>, vector<1x128x128xf32>
    %get3A_6 = vector.shape_cast %get3A_5 : vector<1x128x128xf32> to vector<128x128xf32>
    %dot_general3A = arith.constant dense<0.000000e+00> : vector<1000x128xf32>
    %dot_general3A_7 = tpu.matmul %get3A_1, %get3A_6, %dot_general3A {dimension_numbers = #tpu.dot_dimension_numbers<[1], [1], [0], [0], [0, 0, 1, 0], [], []>, transpose_lhs_hint = false} : vector<1000x128xf32>, vector<128x128xf32>, vector<1000x128xf32> -> vector<1000x128xf32>
    %swap3A = arith.constant 0 : index
    %swap3A_8 = arith.constant 0 : index
    %swap3A_9 = vector.load %arg4[%swap3A, %swap3A_8] : memref<1000x128xf32, #tpu.memory_space<vmem>>, vector<1000x128xf32>
    tpu.vector_store %arg4[%swap3A, %swap3A_8], %dot_general3A_7 {strides = array<i32>} : memref<1000x128xf32, #tpu.memory_space<vmem>>, vector<1000x128xf32>,
    return
  }
  func.func @transform_0(%arg0: i32, %arg1: i32) -> (i32, i32) {
    %c0_i32 = arith.constant 0 : i32
    %c0_i32_0 = arith.constant 0 : i32
    return %arg1, %c0_i32 : i32, i32
  }
  func.func @transform_1(%arg0: i32, %arg1: i32) -> (i32, i32, i32) {
    %c0_i32 = arith.constant 0 : i32
    %c0_i32_0 = arith.constant 0 : i32
    %c0_i32_1 = arith.constant 0 : i32
    return %arg0, %c0_i32, %c0_i32_0 : i32, i32, i32
  }
  func.func @transform_2(%arg0: i32, %arg1: i32) -> (i32, i32) {
    %mul3A = arith.constant 10 : i32
    %mul3A_0 = arith.muli %arg0, %mul3A : i32
    %add3A = arith.addi %mul3A_0, %arg1 : i32
    %c0_i32 = arith.constant 0 : i32
    %c0_i32_1 = arith.constant 0 : i32
    return %add3A, %c0_i32 : i32, i32
  }
}

module attributes {stable_mosaic.version = 14 : i64} {
  func.func @_combine_kernel(%arg0: i32, %arg1: memref<1x1000x128xf32, #tpu.memory_space<vmem>>, %arg2: memref<1x1000x128xf32, #tpu.memory_space<vmem>>, %arg3: memref<1x128xf32, #tpu.memory_space<vmem>>, %arg4: memref<1000x128xf32, #tpu.memory_space<vmem>>) attributes {dimension_semantics = [#tpu.dimension_semantics<arbitrary>], iteration_bounds = array<i64: 10>, scalar_prefetch = 0 : i64, scratch_operands = 0 : i64, tpu.core_type = #tpu.core_type<tc>, window_params = [{transform_indices = @transform_0, window_bounds = array<i64: 1, 1000, 128>}, {transform_indices = @transform_1, window_bounds = array<i64: 1, 1000, 128>}, {pipeline_mode = #tpu.pipeline_mode<synchronous>, transform_indices = @transform_2, window_bounds = array<i64: 1, 128>}, {transform_indices = @transform_3, window_bounds = array<i64: 1000, 128>}]} {
    %get3A = arith.constant 0 : index
    %get3A_0 = arith.constant 0 : index
    %get3A_1 = arith.constant 0 : index
    %get3A_2 = vector.load %arg1[%get3A, %get3A_0, %get3A_1] : memref<1x1000x128xf32, #tpu.memory_space<vmem>>, vector<1x1000x128xf32>
    %get3A_3 = vector.shape_cast %get3A_2 : vector<1x1000x128xf32> to vector<1000x128xf32>
    %get3A_4 = arith.constant 0 : index
    %get3A_5 = arith.constant 0 : index
    %get3A_6 = arith.constant 0 : index
    %get3A_7 = vector.load %arg2[%get3A_4, %get3A_5, %get3A_6] : memref<1x1000x128xf32, #tpu.memory_space<vmem>>, vector<1x1000x128xf32>
    %get3A_8 = vector.shape_cast %get3A_7 : vector<1x1000x128xf32> to vector<1000x128xf32>
    %add3A = arith.addf %get3A_3, %get3A_8 : vector<1000x128xf32>
    %get3A_9 = arith.constant 0 : index
    %get3A_10 = arith.constant 0 : index
    %get3A_11 = vector.load %arg3[%get3A_9, %get3A_10] : memref<1x128xf32, #tpu.memory_space<vmem>>, vector<1x128xf32>
    %add3A_12 = vector.broadcast %get3A_11 : vector<1x128xf32> to vector<1000x128xf32>
    %add3A_13 = arith.addf %add3A, %add3A_12 : vector<1000x128xf32>
    %swap3A = arith.constant 0 : index
    %swap3A_14 = arith.constant 0 : index
    %swap3A_15 = vector.load %arg4[%swap3A, %swap3A_14] : memref<1000x128xf32, #tpu.memory_space<vmem>>, vector<1000x128xf32>
    tpu.vector_store %arg4[%swap3A, %swap3A_14], %add3A_13 {strides = array<i32>} : memref<1000x128xf32, #tpu.memory_space<vmem>>, vector<1000x128xf32>,
    return
  }
  func.func @transform_0(%arg0: i32) -> (i32, i32, i32) {
    %c0_i32 = arith.constant 0 : i32
    %c0_i32_0 = arith.constant 0 : i32
    %c0_i32_1 = arith.constant 0 : i32
    return %c0_i32, %arg0, %c0_i32_0 : i32, i32, i32
  }
  func.func @transform_1(%arg0: i32) -> (i32, i32, i32) {
    %c1_i32 = arith.constant 1 : i32
    %c0_i32 = arith.constant 0 : i32
    %c0_i32_0 = arith.constant 0 : i32
    return %c1_i32, %arg0, %c0_i32 : i32, i32, i32
  }
  func.func @transform_2(%arg0: i32) -> (i32, i32) {
    %c0_i32 = arith.constant 0 : i32
    %c0_i32_0 = arith.constant 0 : i32
    %c0_i32_1 = arith.constant 0 : i32
    return %c0_i32, %c0_i32_0 : i32, i32
  }
  func.func @transform_3(%arg0: i32) -> (i32, i32) {
    %c0_i32 = arith.constant 0 : i32
    %c0_i32_0 = arith.constant 0 : i32
    return %arg0, %c0_i32 : i32, i32
  }
}

</mosaic_0001>

<sc_bundles>
// kernel: kernel.6.cloned.1.call-start
scs
__scs_entry_jumppad:
0x0: {  	(pc) =	sbr.rel $0x88, $3  }
0x1: {  	(tag) =	ssettag $0x0;
	lr =	simm.s32 $0x1  }
0x2: {  	[smem:$0x3F9C] =	sst lr;
	_ =	strace $0xD0000000  }
0x3: {  	_ = 	snop  }
0x4: {  	_ = 	snop  }
0x5: {  	_ = 	snop  }
0x6: {  	_ = 	snop  }
0x7: {  	_ = 	snop  }
__scs_overlays_trampoline_lowered:
0x8: {  	[smem:$0x3FAB] =	sst s0  }
0x9: {  	[smem:$0x3FAC] =	sst s1  }
0xa: {  	[smem:$0x3FAD] =	sst s2  }
0xb: {  	[smem:$0x3FAE] =	sst s3  }
0xc: {  	[smem:$0x3FAF] =	sst s4  }
0xd: {  	[smem:$0x3FB0] =	sst s5  }
0xe: {  	[smem:$0x3FB1] =	sst s6  }
0xf: {  	[smem:$0x3FB2] =	sst s7  }
0x10: {  	[smem:$0x3FB3] =	sst s8  }
0x11: {  	[smem:$0x3FB4] =	sst s9;
	s0 =	simm.s32 @!p0 $0x0  }
0x12: {  	s1 =	sld [smem:$0x3F9A];
	s0 =	simm.s32 @p0 $0x1  }
0x13: {  	[smem:$0x3FB5] =	sst s0;
	s0 =	simm.s32 @!p1 $0x0  }
0x14: {  	s2 =	sld [smem:$0x3F99];
	s0 =	simm.s32 @p1 $0x1  }
0x15: {  	[smem:$0x3FB6] =	sst s0;
	s0 =	simm.s32 @!p2 $0x0  }
0x16: {  	s3 =	sld [smem:$0x3FDB];
	s0 =	simm.s32 @p2 $0x1  }
0x17: {  	s4 =	simm.s32 $0x1BF5;
	[smem:$0x3FB8] =	sst s0  }
0x18: {  	s0 =	sld [smem:$0x3F9B];
	_ =	swait.ge [sflag:s4], $0x0  }
0x19: {  	s7 =	sld [smem:$0x3F9C]  }
0x1a: {  	s8 =	sadd.s32 $0xFFFFE003, lr  }
0x1b: {  	s9 =	sadd.s32 $0xFFFFFEF7, lr;
	s5 =	simm.s32 $0xFFFFFFFF;
	p2 =	slt.u32 s8, $0xFFFFF086  }
0x1c: {  	p1 =	slt.u32 s9, $0xF7A;
	s5 =	simm.s32 @!p2 $0x0  }
0x1d: {  	s5 =	simm.s32 @p1 $0x1;
	p0 =	seq.s32 s7, s2  }
0x1e: {  	s7 =	smul.u32 @!p0 $0xF7A, s2;
	p2 =	seq.s32 @!p0 s5, $0x0  }
0x1f: {  	s9 =	smul.u32 $0xF7A, s1;
	s8 =	simm.s32 @!p0 $0x1BF5;
	p2 =	por !p2, p0  }
0x20: {  	[sflag:s8] =	ssyncset.s32 @!p0 $0xFFFFF086;
	s6 =	sadd.s32 @!p0 s3, s7;
	s7 =	simm.s32 @!p0 $0x108  }
0x21: {  	s3 =	sadd.s32 s3, s9;
	s6 =	sadd.s32 @!p0 $0x88, s6;
	s7 =	simm.s32 @p2 $0x1082  }
0x22: {  	[simem:s7], [sflag:s8] =	dma.local @!p0 [hbm:s6], $0xF7A  }
0x23: {  	s9 =	sor.u32 $0xD0000000, s2;
	s6 =	simm.s32 $0x108;
	_ =	swait.ge @!p0 [sflag:s8], $0x0  }
0x24: {  	s3 =	sadd.s32 $0x88, s3;
	s6 =	simm.s32 @!p1 $0x1082;
	[sflag:s4] =	ssyncset.s32 $0xFFFFF086  }
0x25: {  	[simem:s6], [sflag:s4] =	dma.local [hbm:s3], $0xF7A  }
0x26: {  	[smem:$0x3F9C] =	sst s1;
	(tag) =	ssettag s2;
	_ =	strace s9  }
0x27: {  	s1 =	sld [smem:$0x3FAC]  }
0x28: {  	s2 =	sld [smem:$0x3FAD]  }
0x29: {  	s4 =	sld [smem:$0x3FAF]  }
0x2a: {  	p0 =	seq.s32 s5, $0x0;
	s5 =	sld [smem:$0x3FB0]  }
0x2b: {  	s6 =	sld [smem:$0x3FB1]  }
0x2c: {  	s7 =	sld [smem:$0x3FB2]  }
0x2d: {  	s3 =	simm.s32 $0x108;
	s8 =	sld [smem:$0x3FB3]  }
0x2e: {  	s3 =	simm.s32 @!p0 $0x1082;
	s9 =	sld [smem:$0x3FB4]  }
0x2f: {  	lr =	sadd.s32 s0, s3;
	s0 =	sld [smem:$0x3FAB]  }
0x30: {  	s3 =	sld [smem:$0x3FAE]  }
0x31: {  	[smem:$0x3FB7] =	sst s10  }
0x32: {  	s10 =	sld [smem:$0x3FB5];
	_ =	sdelay $0x3  }
0x33: {  	p0 =	seq.s32 s10, $0x1;
	s10 =	sld [smem:$0x3FB7];
	_ =	sdelay $0x3  }
0x34: {  	[smem:$0x3FB7] =	sst s10  }
0x35: {  	s10 =	sld [smem:$0x3FB6];
	_ =	sdelay $0x3  }
0x36: {  	p1 =	seq.s32 s10, $0x1;
	s10 =	sld [smem:$0x3FB7];
	_ =	sdelay $0x3  }
0x37: {  	[smem:$0x3FB7] =	sst s10  }
0x38: {  	s10 =	sld [smem:$0x3FB8]  }
0x39: {  	_ = 	snop;
	(pc) =	sbr.ind lr, $3  }
0x3a: {  	_ = 	snop  }
0x3b: {  	_ = 	snop  }
0x3c: {  	p2 =	seq.s32 s10, $0x1;
	s10 =	sld [smem:$0x3FB7]  }
0x3d: {  	_ =	shalt  }
0x3e: {  	_ =	shalt  }
0x3f: {  	_ =	shalt  }
0x40: {  	_ =	shalt  }
0x41: {  	_ =	shalt  }
0x42: {  	_ =	shalt  }
0x43: {  	_ =	shalt  }
0x44: {  	_ =	shalt  }
0x45: {  	_ =	shalt  }
0x46: {  	_ =	shalt  }
0x47: {  	_ =	shalt  }
0x48: {  	_ =	shalt  }
0x49: {  	_ =	shalt  }
0x4a: {  	_ =	shalt  }
0x4b: {  	_ =	shalt  }
0x4c: {  	_ =	shalt  }
0x4d: {  	_ =	shalt  }
0x4e: {  	_ =	shalt  }
0x4f: {  	_ =	shalt  }
0x50: {  	_ =	shalt  }
0x51: {  	_ =	shalt  }
0x52: {  	_ =	shalt  }
0x53: {  	_ =	shalt  }
0x54: {  	_ =	shalt  }
0x55: {  	_ =	shalt  }
0x56: {  	_ =	shalt  }
0x57: {  	_ =	shalt  }
0x58: {  	_ =	shalt  }
0x59: {  	_ =	shalt  }
0x5a: {  	_ =	shalt  }
0x5b: {  	_ =	shalt  }
0x5c: {  	_ =	shalt  }
0x5d: {  	_ =	shalt  }
0x5e: {  	_ =	shalt  }
0x5f: {  	_ =	shalt  }
0x60: {  	_ =	shalt  }
0x61: {  	_ =	shalt  }
0x62: {  	_ =	shalt  }
0x63: {  	_ =	shalt  }
0x64: {  	_ =	shalt  }
0x65: {  	_ =	shalt  }
0x66: {  	_ =	shalt  }
0x67: {  	_ =	shalt  }
0x68: {  	_ =	shalt  }
0x69: {  	_ =	shalt  }
0x6a: {  	_ =	shalt  }
0x6b: {  	_ =	shalt  }
0x6c: {  	_ =	shalt  }
0x6d: {  	_ =	shalt  }
0x6e: {  	_ =	shalt  }
0x6f: {  	_ =	shalt  }
0x70: {  	_ =	shalt  }
0x71: {  	_ =	shalt  }
0x72: {  	_ =	shalt  }
0x73: {  	_ =	shalt  }
0x74: {  	_ =	shalt  }
0x75: {  	_ =	shalt  }
0x76: {  	_ =	shalt  }
0x77: {  	_ =	shalt  }
0x78: {  	_ =	shalt  }
0x79: {  	_ =	shalt  }
0x7a: {  	_ =	shalt  }
0x7b: {  	_ =	shalt  }
0x7c: {  	_ =	shalt  }
0x7d: {  	_ =	shalt  }
0x7e: {  	_ =	shalt  }
0x7f: {  	_ =	shalt  }
0x80: {  	_ =	shalt  }
0x81: {  	_ =	shalt  }
0x82: {  	_ =	shalt  }
0x83: {  	_ =	shalt  }
0x84: {  	_ =	shalt  }
0x85: {  	_ =	shalt  }
0x86: {  	_ =	shalt  }
0x87: {  	_ =	shalt  }
.Lfunc_end0:
.L_simem_size_0:
called_computation_lowered:
.L_overlay_start_0:
0x88: {  	s2 =	sld [smem:$0x3FD9]  }
0x89: {  	s3 =	sld [smem:$0x3FFE];
	_ =	sdelay $0x1  }
0x8a: {  	s1 =	srdreg.scid  }
0x8b: {  	s0 =	sand.u32 $0x1, s1  }
0x8c: {  	s17 =	sshll.u32 s0, $0xA;
	s2 =	sadd.s32 s3, s2  }
0x8d: {  	s2 =	sadd.s32 s2, s17  }
0x8e: {  	[smem:$0x3FC3] =	sst s2  }
0x8f: {  	_ = 	snop  }
0x90: {  	s2 =	sld [smem:$0x3FD0];
	(tm) =	ssettm $0x1  }
0x91: {  	s18 =	sld [smem:$0x3FFB];
	_ =	sdelay $0x3  }
0x92: {  	_ =	strace s18  }
0x93: {  	s3 =	sld [smem:$0x3FFC];
	_ =	sdelay $0x3  }
0x94: {  	_ =	strace s3  }
0x95: {  	s3 =	sld [smem:$0x3FFD];
	_ =	sdelay $0x3  }
0x96: {  	_ =	strace s3  }
0x97: {  	_ =	strace $0x8FFFFFFF  }
0x98: {  	s19 =	sld [smem:$0x3FDB];
	_ =	sdelay $0x1  }
0x99: {  	s4 =	simm.s32 $_scs_section_size  }
0x9a: {  	s5 =	simm.s32 $_size__tile_overlayer_lowered;
	s6 =	simm.s32 $_tile_overlayer_lowered  }
0x9b: {  	s22 =	simm.s32 $0x1BFF;
	s21 =	sshll.u32 s6, $0x1;
	s3 =	sadd.s32 s4, s19  }
0x9c: {  	s7 =	simm.s32 $0x0;
	s20 =	sshll.u32 s5, $0x1;
	s5 =	sadd.s32 s21, s3  }
0x9d: {  	[timem:s7], [sflag:s22] =	dma.local [hbm:s5], s20  }
0x9e: {  	_ =	swait.ge [sflag:s22], s20  }
0x9f: {  	s4 =	ssub.s32 $0x0, s20;
	[sflag:s22] =	ssyncset.done $0x0  }
0xa0: {  	[sflag:s22] =	ssyncadd.s32 s4;
	_ =	sdelay $0x1  }
0xa1: {  	s23 =	simm.s32 $0x1B8B  }
0xa2: {  	_ =	swait.ge [sflag:s23], $0x1  }
0xa3: {  	[sflag:s23] =	ssyncset.done $0x0  }
0xa4: {  	s25 =	simm.s32 $0x1B8E;
	s24 =	sld [smem:$0x3FFE];
	[sflag:s23] =	ssyncadd.s32 $0xFFFFFFFF  }
0xa5: {  	s26 =	simm.s32 $execute0_lowered;
	[smem:$0x3FD2] =	sst s25  }
0xa6: {  	s5 =	sshll.u32 s26, $0x1;
	_ =	strace $0x80000046;
	[dreg:$0x1] =	wrdreg $0xFFFFFFFF  }
0xa7: {  	s28 =	simm.s32 $_size_execute0_lowered;
	s3 =	sadd.s32 s3, s5;
	[dreg:$0x0] =	wrdreg $0x0  }
0xa8: {  	s5 =	sshll.u32 s28, $0x1;
	[dreg:$0x2] =	wrdreg s3  }
0xa9: {  	[dreg:$0x3] =	wrdreg s5  }
0xaa: {  	[dreg:$0x4] =	wrdreg $0xC0  }
0xab: {  	_ =	task [dreg:s7], $0x5FFFF  }
0xac: {  	[dreg:$0x1] =	wrdreg $0xFFFFFFFF  }
0xad: {  	[dreg:$0x0] =	wrdreg $0x60  }
0xae: {  	[dreg:$0x2] =	wrdreg s24  }
0xaf: {  	[dreg:$0x3] =	wrdreg s2  }
0xb0: {  	[dreg:$0x4] =	wrdreg $0x84000  }
0xb1: {  	[dreg:$0x5] =	wrdreg $0x9  }
0xb2: {  	_ =	task.clear_ibuf [dreg:s7], $0x6FFFF;
	_ =	strace $0x90000046  }
0xb3: {  	s29 =	simm.s32 $0x9;
	_ =	strace $0x80000048  }
0xb4: {  	_ =	swait.ge [sflag:s29], $0x1  }
0xb5: {  	[sflag:s29] =	ssyncadd.s32 $0xFFFFFFFF  }
0xb6: {  	_ =	strace $0x90000048  }
0xb7: {  	_ =	sfence  }
0xb8: {  	s30 =	sld [smem:$0x0];
	_ =	sdelay $0x2  }
0xb9: {  	s31 =	sshll.u32 s1, $0xD;
	s1 =	sshrl.u32 s1, $0x2  }
0xba: {  	s3 =	sand.u32 $0x4000, s31;
	s1 =	sadd.s32 s1, s30  }
0xbb: {  	s0 =	sor.u32 s3, s0;
	s1 =	sshll.u32 s1, $0x11  }
0xbc: {  	s0 =	sor.u32 s1, s0  }
0xbd: {  	s0 =	sadd.s32 $0x8F2B, s0  }
0xbe: {  	[sflag:s0] =	ssyncadd.remote.s32 $0x1  }
0xbf: {  	_ =	sfence.sel $0xFFFF  }
0xc0: {  	[dreg:$0x0] =	wrdreg $0xFFFFFFFF;
	(pc) =	sbr.abs _section_cstart, $3  }
0xc1: {  	[dreg:$0x1] =	wrdreg $0xFFFFFFFF  }
0xc2: {  	_ =	task.clear_ibuf [dreg:s7], $0x2FFFF;
	_ =	strace $0x9FFFFFFF  }
0xc3: {  	(tm) =	ssettm $0x7FFFFFFF  }
tec
execute0_lowered:
.L_overlay_start_1:
0x0: {  	(tag) =	ssettag $0x1  }
0x1: {  	s0 =	rddreg [dreg:$0x0]  }
0x2: {  	s1 =	rddreg [dreg:$0x1]  }
0x3: {  	s2 =	rddreg [dreg:$0x2]  }
0x4: {  	s3 =	srdreg.scid;
	s12 =	stileid.u32  }
0x5: {  	s6 =	simm.s32 $0x98;
	s28 =	simm.s32 $0x280;
	s29 =	simm.s32 $0x380  }
0x6: {  	s30 =	simm.s32 $0x0;
	s5 =	sand.u32 $0x1, s3;
	s3 =	simm.s32 $0x0  }
0x7: {  	s4 =	sadd.s32 $0xE00, s0;
	s9 =	smul.u32 $0x4F000, s12;
	s0 =	sadd.s32 $0x139600, s0  }
0x8: {  	p0 =	seq.s32 s5, $0x0;
	s7 =	smul.u32 $0x980, s5;
	[smem:$0x7FF] =	sst s3  }
0x9: {  	s10 =	ssub.s32 $0x2, s5;
	s5 =	smul.u32 $0x13C000, s5;
	s6 =	simm.s32 @!p0 $0x8  }
0xa: {  	s11 =	sshrl.u32 s10, $0x1;
	s9 =	sshrl.u32 s9, $0x2;
	s8 =	smul.u32 s12, s6  }
0xb: {  	s12 =	smul.u32 $0x13C00, s12;
	s10 =	ssub.s32 s10, s11;
	s31 =	sadd.s32 s9, s2  }
0xc: {  	_ =	strace $0x80000047;
	s18 =	sadd.s32 $0x4000, s31;
	s10 =	smax.u32 s10, $0x1  }
0xd: {  	s7 =	sadd.s32 s7, s8;
	[dreg:$0x4] =	wrdreg s18;
	s19 =	sadd.s32 s12, s5  }
0xe: {  	s9 =	sadd.s32 $0x2800, s12;
	s13 =	sadd.s32 $0xA000, s12;
	s17 =	sadd.s32 $0xF000, s12  }
0xf: {  	[dreg:$0xf] =	wrdreg s10;
	s7 =	sshll.u32 s7, $0x5;
	s8 =	sshrl.u32 s19, $0x3  }
0x10: {  	s20 =	sadd.s32 s5, s9;
	s14 =	sadd.s32 s5, s13;
	s15 =	sadd.s32 s5, s17  }
0x11: {  	s16 =	sadd.s32 s1, s7;
	s21 =	sadd.s32 s0, s8;
	s22 =	sshrl.u32 s20, $0x3  }
0x12: {  	s7 =	sadd.s32 $0x7800, s12;
	s26 =	sshrl.u32 s14, $0x3;
	s15 =	sshrl.u32 s15, $0x3  }
0x13: {  	s20 =	sadd.s32 $0x8000, s31;
	[dreg:$0x6] =	wrdreg s21;
	s1 =	sadd.s32 s0, s22  }
0x14: {  	s24 =	sadd.s32 s5, s7;
	s19 =	sadd.s32 s0, s15;
	[dreg:$0xe] =	wrdreg s20  }
0x15: {  	s21 =	sshrl.u32 s6, $0x2;
	s22 =	sadd.s32 s9, s2;
	[dreg:$0x5] =	wrdreg s16  }
0x16: {  	s20 =	sadd.s32 $0x10000, s31;
	s9 =	sadd.s32 $0xE0, s16;
	[dreg:$0x7] =	wrdreg s1  }
0x17: {  	s1 =	sadd.s32 $0x5000, s12;
	s11 =	sshrl.u32 s24, $0x3;
	[dreg:$0xc] =	wrdreg s19  }
0x18: {  	s24 =	sadd.s32 s13, s2;
	s10 =	sshrl.u32 s22, $0x3;
	s19 =	sadd.s32 $0xC000, s31  }
0x19: {  	[dreg:$0x19] =	wrdreg s20;
	s22 =	sadd.s32 $0x40, s16;
	s20 =	simm.s32 $0x4400  }
0x1a: {  	s23 =	sadd.s32 s5, s1;
	s25 =	sadd.s32 s0, s11;
	[dreg:$0x11] =	wrdreg s10  }
0x1b: {  	s11 =	sadd.s32 $0xC800, s12;
	s12 =	sadd.s32 $0x11800, s12;
	[dreg:$0x18] =	wrdreg s19  }
0x1c: {  	s1 =	sadd.s32 s1, s2;
	[dreg:$0x1b] =	wrdreg s22;
	s10 =	sadd.s32 $0xC0, s16  }
0x1d: {  	s19 =	simm.s32 $0x200;
	s22 =	simm.s32 $0x5;
	s8 =	sshrl.u32 s23, $0x3  }
0x1e: {  	[dreg:$0x9] =	wrdreg s25;
	s23 =	sadd.s32 s7, s2;
	s8 =	sadd.s32 s0, s8  }
0x1f: {  	s25 =	sadd.s32 s17, s2;
	s13 =	sshrl.u32 s23, $0x3;
	[dreg:$0x8] =	wrdreg s8  }
0x20: {  	s18 =	sadd.s32 s5, s11;
	s17 =	sshrl.u32 s25, $0x3;
	[dreg:$0x13] =	wrdreg s13  }
0x21: {  	s5 =	sadd.s32 s5, s12;
	s23 =	sadd.s32 $0x60, s16;
	[dreg:$0x16] =	wrdreg s17  }
0x22: {  	s14 =	sshrl.u32 s18, $0x3;
	s25 =	sadd.s32 $0xA0, s16;
	[dreg:$0x1c] =	wrdreg s23  }
0x23: {  	s5 =	sshrl.u32 s5, $0x3;
	s8 =	sadd.s32 s0, s26;
	[dreg:$0x1e] =	wrdreg s25  }
0x24: {  	s14 =	sadd.s32 s0, s14;
	s0 =	sadd.s32 s0, s5;
	[dreg:$0xa] =	wrdreg s8  }
0x25: {  	s26 =	sadd.s32 s12, s2;
	s12 =	sshrl.u32 s1, $0x3;
	[dreg:$0xb] =	wrdreg s14  }
0x26: {  	s13 =	simm.s32 $0x2;
	s17 =	simm.s32 $0x80;
	[dreg:$0xd] =	wrdreg s0  }
0x27: {  	s23 =	simm.s32 $0x7;
	s0 =	sadd.s32 $0xFFFFFFFF, s21;
	[dreg:$0x12] =	wrdreg s12  }
0x28: {  	s25 =	simm.s32 $0x180;
	s14 =	sshrl.u32 s24, $0x3;
	[dreg:$0x10] =	wrdreg s0  }
0x29: {  	s8 =	sadd.s32 s11, s2;
	s18 =	sshrl.u32 s26, $0x3;
	[dreg:$0x14] =	wrdreg s14  }
0x2a: {  	s21 =	sadd.s32 $0x20, s16;
	s24 =	sadd.s32 $0x80, s16;
	[dreg:$0x17] =	wrdreg s18  }
0x2b: {  	s26 =	sadd.s32 $0x120, s16;
	s11 =	simm.s32 $0x400;
	[dreg:$0x1a] =	wrdreg s21  }
0x2c: {  	s12 =	simm.s32 $0x1;
	s15 =	sshrl.u32 s8, $0x3;
	[dreg:$0x1d] =	wrdreg s24  }
0x2d: {  	[dreg:$0x1f] =	wrdreg s26;
	s8 =	sadd.s32 $0x100, s16;
	s14 =	simm.s32 $0x3  }
0x2e: {  	s16 =	simm.s32 $0x100;
	s21 =	simm.s32 $0x300;
	s24 =	simm.s32 $0x6  }
0x2f: {  	v0 =	vimm.f32 $0.0e+00;
	s26 =	simm.s32 $0x8;
	[dreg:$0x15] =	wrdreg s15;
	s15 =	simm.s32 $0x4  }
.LBB2_1:
0x30: {  	s0 =	simm.s32 $0x0;
	s1 =	simm.s32 $0x200  }
.LBB2_2:
0x31: {  	p0 =	sne.s32 s1, $0xFE00;
	[tilespmem:s0+$0x470] =	vst v0  }
0x32: {  	[tilespmem:s0+$0x400] =	vst v0  }
0x33: {  	[tilespmem:s0+$0x410] =	vst v0  }
.Ltmp0:
0x34: {  	[tilespmem:s0+$0x420] =	vst v0;
	(pc) =	sbr.rel @p0 .LBB2_2-.Ltmp0, $4  }
0x35: {  	[tilespmem:s0+$0x430] =	vst v0  }
0x36: {  	[tilespmem:s0+$0x440] =	vst v0  }
0x37: {  	[tilespmem:s0+$0x450] =	vst v0  }
0x38: {  	[tilespmem:s0+$0x460] =	vst v0;
	s0 =	sshra.s32 s1, $0x2;
	s1 =	sadd.s32 $0x200, s1  }
0x39: {  	[tilespmem:s0+$0x470] =	vst v0  }
0x3a: {  	[tilespmem:s0+$0x400] =	vst v0  }
0x3b: {  	[tilespmem:s0+$0x410] =	vst v0  }
0x3c: {  	[tilespmem:s0+$0x420] =	vst v0  }
0x3d: {  	[tilespmem:s0+$0x430] =	vst v0  }
0x3e: {  	[tilespmem:s0+$0x440] =	vst v0  }
0x3f: {  	[tilespmem:s0+$0x450] =	vst v0  }
0x40: {  	[tilespmem:s0+$0x460] =	vst v0  }
0x41: {  	[spmem:s31] =	stream.linear.scatter [tilespmem:s11], [sflag:$0x1], $0x4000, $0x38;
	[tilespmem:$0x1C000] =	vst v63  }
0x42: {  	s5 =	rddreg [dreg:$0x4]  }
0x43: {  	[spmem:s5] =	stream.linear.scatter [tilespmem:s11], [sflag:$0x2], $0x4000, $0x38;
	[tilespmem:$0x1C000] =	vst v63  }
0x44: {  	s6 =	rddreg [dreg:$0xe]  }
0x45: {  	[spmem:s6] =	stream.linear.scatter [tilespmem:s11], [sflag:$0x3], $0x4000, $0x38;
	[tilespmem:$0x1C000] =	vst v63  }
0x46: {  	s7 =	rddreg [dreg:$0x18]  }
0x47: {  	[spmem:s7] =	stream.linear.scatter [tilespmem:s11], [sflag:$0x4], $0x4000, $0x38;
	[tilespmem:$0x1C000] =	vst v63  }
0x48: {  	s1 =	rddreg [dreg:$0x19]  }
0x49: {  	[spmem:s1] =	stream.linear.scatter [tilespmem:s11], [sflag:$0x1], $0x3C00, $0x38;
	[tilespmem:$0x1C000] =	vst v63  }
0x4a: {  	_ =	swait.ge [sflag:s12], $0x4000  }
0x4b: {  	[sflag:s12] =	ssyncset.done $0x0  }
0x4c: {  	[sflag:s12] =	ssyncadd.s32 $0xFFFFC000  }
0x4d: {  	_ =	swait.ge [sflag:s13], $0x4000  }
0x4e: {  	[sflag:s13] =	ssyncset.done $0x0  }
0x4f: {  	[sflag:s13] =	ssyncadd.s32 $0xFFFFC000  }
0x50: {  	_ =	swait.ge [sflag:s14], $0x4000  }
0x51: {  	[sflag:s14] =	ssyncset.done $0x0  }
0x52: {  	[sflag:s14] =	ssyncadd.s32 $0xFFFFC000  }
0x53: {  	_ =	swait.ge [sflag:s15], $0x4000  }
0x54: {  	[sflag:s15] =	ssyncset.done $0x0  }
0x55: {  	[sflag:s15] =	ssyncadd.s32 $0xFFFFC000  }
0x56: {  	_ =	swait.ge [sflag:s12], $0x3C00  }
0x57: {  	[sflag:s12] =	ssyncset.done $0x0  }
0x58: {  	[sflag:s12] =	ssyncadd.s32 $0xFFFFC400  }
0x59: {  	[bflag:$0x0] =	sbarrier.arrive $0xFFFF  }
0x5a: {  	s5 =	rddreg [dreg:$0x5]  }
0x5b: {  	[tilespmem:s3], [sflag:$0x1] =	stream.linear.gather [hbm4b:s5+s3], $0x100, $0x38;
	[tilespmem:$0x1C000] =	vst v63  }
0x5c: {  	s6 =	rddreg [dreg:$0x1a]  }
0x5d: {  	[tilespmem:s16], [sflag:$0x2] =	stream.linear.gather [hbm4b:s6+s3], $0x100, $0x38;
	[tilespmem:$0x1C000] =	vst v63  }
0x5e: {  	_ =	swait.ge [sflag:s12], $0x100  }
0x5f: {  	[sflag:s12] =	ssyncset.done $0x0  }
0x60: {  	[sflag:s12] =	ssyncadd.s32 $0xFFFFFF00  }
0x61: {  	[tilespmem:s11], [sflag:$0x5] =	stream.indirect.gather [hbm4b:s4+s17], $0x80, s3, s17, $0xb8;
	[tilespmem:$0x1C000] =	vst v63  }
0x62: {  	s7 =	rddreg [dreg:$0x1b]  }
0x63: {  	[tilespmem:s19], [sflag:$0x3] =	stream.linear.gather [hbm4b:s7+s3], $0x100, $0x38;
	[tilespmem:$0x1C000] =	vst v63  }
0x64: {  	_ =	swait.ge [sflag:s13], $0x100  }
0x65: {  	[sflag:s13] =	ssyncset.done $0x0  }
0x66: {  	[sflag:s13] =	ssyncadd.s32 $0xFFFFFF00  }
0x67: {  	[tilespmem:s20], [sflag:$0x6] =	stream.indirect.gather [hbm4b:s4+s17], $0x80, s16, s17, $0xb8;
	[tilespmem:$0x1C000] =	vst v63  }
0x68: {  	s1 =	rddreg [dreg:$0x1c]  }
0x69: {  	[tilespmem:s21], [sflag:$0x4] =	stream.linear.gather [hbm4b:s1+s3], $0x100, $0x38;
	[tilespmem:$0x1C000] =	vst v63  }
0x6a: {  	_ =	swait.ge [sflag:s22], $0x4000  }
0x6b: {  	[sflag:s22] =	ssyncset.done $0x0  }
0x6c: {  	[sflag:s22] =	ssyncadd.s32 $0xFFFFC000  }
0x6d: {  	[spmem:s2] =	stream.indirect.scatter.add.f32 [tilespmem:s11], [sflag:$0x7], $0x80, s17, s17, $0xb8;
	[tilespmem:$0x1C000] =	vst v63  }
0x6e: {  	_ =	swait.ge [sflag:s14], $0x100  }
0x6f: {  	[sflag:s14] =	ssyncset.done $0x0  }
0x70: {  	[sflag:s14] =	ssyncadd.s32 $0xFFFFFF00  }
0x71: {  	_ =	swait.ge [sflag:s23], $0x4000  }
0x72: {  	[sflag:s23] =	ssyncset.done $0x0  }
0x73: {  	[sflag:s23] =	ssyncadd.s32 $0xFFFFC000  }
0x74: {  	[tilespmem:s11], [sflag:$0x5] =	stream.indirect.gather [hbm4b:s4+s17], $0x80, s19, s17, $0xb8;
	[tilespmem:$0x1C000] =	vst v63  }
0x75: {  	s5 =	rddreg [dreg:$0x1d]  }
0x76: {  	[tilespmem:s3], [sflag:$0x1] =	stream.linear.gather [hbm4b:s5+s3], $0x100, $0x38;
	[tilespmem:$0x1C000] =	vst v63  }
0x77: {  	_ =	swait.ge [sflag:s24], $0x4000  }
0x78: {  	[sflag:s24] =	ssyncset.done $0x0  }
0x79: {  	[sflag:s24] =	ssyncadd.s32 $0xFFFFC000  }
0x7a: {  	[spmem:s2] =	stream.indirect.scatter.add.f32 [tilespmem:s20], [sflag:$0x8], $0x80, s25, s17, $0xb8;
	[tilespmem:$0x1C000] =	vst v63  }
0x7b: {  	_ =	swait.ge [sflag:s15], $0x100  }
0x7c: {  	[sflag:s15] =	ssyncset.done $0x0  }
0x7d: {  	[sflag:s15] =	ssyncadd.s32 $0xFFFFFF00  }
0x7e: {  	_ =	swait.ge [sflag:s26], $0x4000  }
0x7f: {  	[sflag:s26] =	ssyncset.done $0x0  }
0x80: {  	[sflag:s26] =	ssyncadd.s32 $0xFFFFC000  }
0x81: {  	[tilespmem:s20], [sflag:$0x6] =	stream.indirect.gather [hbm4b:s4+s17], $0x80, s21, s17, $0xb8;
	[tilespmem:$0x1C000] =	vst v63  }
0x82: {  	s6 =	rddreg [dreg:$0x1e]  }
0x83: {  	[tilespmem:s16], [sflag:$0x2] =	stream.linear.gather [hbm4b:s6+s3], $0x100, $0x38;
	[tilespmem:$0x1C000] =	vst v63  }
0x84: {  	_ =	swait.ge [sflag:s22], $0x4000  }
0x85: {  	[sflag:s22] =	ssyncset.done $0x0  }
0x86: {  	[sflag:s22] =	ssyncadd.s32 $0xFFFFC000  }
0x87: {  	[spmem:s2] =	stream.indirect.scatter.add.f32 [tilespmem:s11], [sflag:$0x7], $0x80, s28, s17, $0xb8;
	[tilespmem:$0x1C000] =	vst v63  }
0x88: {  	_ =	swait.ge [sflag:s12], $0x100  }
0x89: {  	[sflag:s12] =	ssyncset.done $0x0  }
0x8a: {  	[sflag:s12] =	ssyncadd.s32 $0xFFFFFF00  }
0x8b: {  	_ =	swait.ge [sflag:s23], $0x4000  }
0x8c: {  	[sflag:s23] =	ssyncset.done $0x0  }
0x8d: {  	[sflag:s23] =	ssyncadd.s32 $0xFFFFC000  }
0x8e: {  	[tilespmem:s11], [sflag:$0x5] =	stream.indirect.gather [hbm4b:s4+s17], $0x80, s3, s17, $0xb8;
	[tilespmem:$0x1C000] =	vst v63  }
0x8f: {  	_ = 	snop  }
0x90: {  	[tilespmem:s19], [sflag:$0x3] =	stream.linear.gather [hbm4b:s10+s3], $0x100, $0x38;
	[tilespmem:$0x1C000] =	vst v63  }
0x91: {  	_ =	swait.ge [sflag:s24], $0x4000  }
0x92: {  	[sflag:s24] =	ssyncset.done $0x0  }
0x93: {  	[sflag:s24] =	ssyncadd.s32 $0xFFFFC000  }
0x94: {  	[spmem:s2] =	stream.indirect.scatter.add.f32 [tilespmem:s20], [sflag:$0x8], $0x80, s29, s17, $0xb8;
	[tilespmem:$0x1C000] =	vst v63  }
0x95: {  	_ =	swait.ge [sflag:s13], $0x100  }
0x96: {  	[sflag:s13] =	ssyncset.done $0x0  }
0x97: {  	[sflag:s13] =	ssyncadd.s32 $0xFFFFFF00  }
0x98: {  	_ =	swait.ge [sflag:s26], $0x4000  }
0x99: {  	[sflag:s26] =	ssyncset.done $0x0  }
0x9a: {  	[sflag:s26] =	ssyncadd.s32 $0xFFFFC000  }
0x9b: {  	[tilespmem:s20], [sflag:$0x6] =	stream.indirect.gather [hbm4b:s4+s17], $0x80, s16, s17, $0xb8;
	[tilespmem:$0x1C000] =	vst v63  }
0x9c: {  	_ = 	snop  }
0x9d: {  	[tilespmem:s21], [sflag:$0x4] =	stream.linear.gather [hbm4b:s9+s3], $0x100, $0x38;
	[tilespmem:$0x1C000] =	vst v63  }
0x9e: {  	_ =	swait.ge [sflag:s22], $0x4000  }
0x9f: {  	[sflag:s22] =	ssyncset.done $0x0  }
0xa0: {  	[sflag:s22] =	ssyncadd.s32 $0xFFFFC000  }
0xa1: {  	[spmem:s2] =	stream.indirect.scatter.add.f32 [tilespmem:s11], [sflag:$0x7], $0x80, s17, s17, $0xb8;
	[tilespmem:$0x1C000] =	vst v63  }
0xa2: {  	_ =	swait.ge [sflag:s14], $0x100  }
0xa3: {  	[sflag:s14] =	ssyncset.done $0x0  }
0xa4: {  	[sflag:s14] =	ssyncadd.s32 $0xFFFFFF00  }
0xa5: {  	_ =	swait.ge [sflag:s23], $0x4000  }
0xa6: {  	[sflag:s23] =	ssyncset.done $0x0  }
0xa7: {  	[sflag:s23] =	ssyncadd.s32 $0xFFFFC000  }
0xa8: {  	[tilespmem:s11], [sflag:$0x5] =	stream.indirect.gather [hbm4b:s4+s17], $0x80, s19, s17, $0xb8;
	[tilespmem:$0x1C000] =	vst v63  }
0xa9: {  	_ = 	snop  }
0xaa: {  	[tilespmem:s3], [sflag:$0x1] =	stream.linear.gather [hbm4b:s8+s3], $0x100, $0x38;
	[tilespmem:$0x1C000] =	vst v63  }
0xab: {  	_ =	swait.ge [sflag:s24], $0x4000  }
0xac: {  	[sflag:s24] =	ssyncset.done $0x0  }
0xad: {  	[sflag:s24] =	ssyncadd.s32 $0xFFFFC000  }
0xae: {  	[spmem:s2] =	stream.indirect.scatter.add.f32 [tilespmem:s20], [sflag:$0x8], $0x80, s25, s17, $0xb8;
	[tilespmem:$0x1C000] =	vst v63  }
0xaf: {  	_ =	swait.ge [sflag:s15], $0x100  }
0xb0: {  	[sflag:s15] =	ssyncset.done $0x0  }
0xb1: {  	[sflag:s15] =	ssyncadd.s32 $0xFFFFFF00  }
0xb2: {  	_ =	swait.ge [sflag:s26], $0x4000  }
0xb3: {  	[sflag:s26] =	ssyncset.done $0x0;
	s7 =	rddreg [dreg:$0x10]  }
0xb4: {  	[sflag:s26] =	ssyncadd.s32 $0xFFFFC000;
	p0 =	sne.s32 s7, $0x1  }
0xb5: {  	[tilespmem:s20], [sflag:$0x6] =	stream.indirect.gather [hbm4b:s4+s17], $0x80, s21, s17, $0xb8;
	[tilespmem:$0x1C000] =	vst v63  }
.Ltmp1:
0xb6: {  	s5 =	rddreg [dreg:$0x1f];
	(pc) =	sbr.rel @!p0 .LBB2_5-.Ltmp1, $4  }
0xb7: {  	[tilespmem:s16], [sflag:$0x2] =	stream.linear.gather [hbm4b:s5+s3], $0x100, $0x38;
	[tilespmem:$0x1C000] =	vst v63  }
0xb8: {  	s18 =	smov.u32 s31;
	s0 =	sadd.s32 $0x80, s9;
	_ =	swait.ge [sflag:s22], $0x4000  }
0xb9: {  	s1 =	sadd.s32 $0x80, s10;
	s31 =	sadd.s32 $0xFFFFFFFF, s7;
	[sflag:s22] =	ssyncset.done $0x0  }
0xba: {  	s7 =	sadd.s32 $0x80, s5;
	s5 =	sadd.s32 $0x80, s8;
	[sflag:s22] =	ssyncadd.s32 $0xFFFFC000  }
.LBB2_4:
0xbb: {  	[spmem:s2] =	stream.indirect.scatter.add.f32 [tilespmem:s11], [sflag:$0x7], $0x80, s28, s17, $0xb8;
	[tilespmem:$0x1C000] =	vst v63  }
0xbc: {  	p0 =	sne.s32 s31, $0x1;
	s31 =	sadd.s32 $0xFFFFFFFF, s31;
	_ =	swait.ge [sflag:s12], $0x100  }
0xbd: {  	[sflag:s12] =	ssyncset.done $0x0  }
0xbe: {  	[sflag:s12] =	ssyncadd.s32 $0xFFFFFF00  }
0xbf: {  	_ =	swait.ge [sflag:s23], $0x4000  }
0xc0: {  	[sflag:s23] =	ssyncset.done $0x0  }
0xc1: {  	[sflag:s23] =	ssyncadd.s32 $0xFFFFC000  }
0xc2: {  	[tilespmem:s11], [sflag:$0x5] =	stream.indirect.gather [hbm4b:s4+s17], $0x80, s3, s17, $0xb8;
	[tilespmem:$0x1C000] =	vst v63  }
0xc3: {  	_ = 	snop  }
0xc4: {  	[tilespmem:s19], [sflag:$0x3] =	stream.linear.gather [hbm4b:s1+s3], $0x100, $0x38;
	[tilespmem:$0x1C000] =	vst v63  }
0xc5: {  	_ =	swait.ge [sflag:s24], $0x4000  }
0xc6: {  	[sflag:s24] =	ssyncset.done $0x0  }
0xc7: {  	[sflag:s24] =	ssyncadd.s32 $0xFFFFC000  }
0xc8: {  	[spmem:s2] =	stream.indirect.scatter.add.f32 [tilespmem:s20], [sflag:$0x8], $0x80, s29, s17, $0xb8;
	[tilespmem:$0x1C000] =	vst v63  }
0xc9: {  	_ =	swait.ge [sflag:s13], $0x100  }
0xca: {  	[sflag:s13] =	ssyncset.done $0x0  }
0xcb: {  	[sflag:s13] =	ssyncadd.s32 $0xFFFFFF00  }
0xcc: {  	_ =	swait.ge [sflag:s26], $0x4000  }
0xcd: {  	[sflag:s26] =	ssyncset.done $0x0  }
0xce: {  	[sflag:s26] =	ssyncadd.s32 $0xFFFFC000  }
0xcf: {  	[tilespmem:s20], [sflag:$0x6] =	stream.indirect.gather [hbm4b:s4+s17], $0x80, s16, s17, $0xb8;
	[tilespmem:$0x1C000] =	vst v63  }
0xd0: {  	_ = 	snop  }
0xd1: {  	[tilespmem:s21], [sflag:$0x4] =	stream.linear.gather [hbm4b:s0+s3], $0x100, $0x38;
	[tilespmem:$0x1C000] =	vst v63  }
0xd2: {  	_ =	swait.ge [sflag:s22], $0x4000  }
0xd3: {  	[sflag:s22] =	ssyncset.done $0x0  }
0xd4: {  	[sflag:s22] =	ssyncadd.s32 $0xFFFFC000  }
0xd5: {  	[spmem:s2] =	stream.indirect.scatter.add.f32 [tilespmem:s11], [sflag:$0x7], $0x80, s17, s17, $0xb8;
	[tilespmem:$0x1C000] =	vst v63  }
0xd6: {  	_ =	swait.ge [sflag:s14], $0x100  }
0xd7: {  	[sflag:s14] =	ssyncset.done $0x0  }
0xd8: {  	[sflag:s14] =	ssyncadd.s32 $0xFFFFFF00  }
0xd9: {  	_ =	swait.ge [sflag:s23], $0x4000  }
0xda: {  	[sflag:s23] =	ssyncset.done $0x0  }
0xdb: {  	[sflag:s23] =	ssyncadd.s32 $0xFFFFC000  }
0xdc: {  	[tilespmem:s11], [sflag:$0x5] =	stream.indirect.gather [hbm4b:s4+s17], $0x80, s19, s17, $0xb8;
	[tilespmem:$0x1C000] =	vst v63  }
0xdd: {  	_ = 	snop  }
0xde: {  	[tilespmem:s3], [sflag:$0x1] =	stream.linear.gather [hbm4b:s5+s3], $0x100, $0x38;
	[tilespmem:$0x1C000] =	vst v63  }
0xdf: {  	_ =	swait.ge [sflag:s24], $0x4000  }
0xe0: {  	[sflag:s24] =	ssyncset.done $0x0  }
0xe1: {  	[sflag:s24] =	ssyncadd.s32 $0xFFFFC000  }
0xe2: {  	[spmem:s2] =	stream.indirect.scatter.add.f32 [tilespmem:s20], [sflag:$0x8], $0x80, s25, s17, $0xb8;
	[tilespmem:$0x1C000] =	vst v63  }
0xe3: {  	_ =	swait.ge [sflag:s15], $0x100  }
0xe4: {  	[sflag:s15] =	ssyncset.done $0x0  }
0xe5: {  	[sflag:s15] =	ssyncadd.s32 $0xFFFFFF00  }
0xe6: {  	_ =	swait.ge [sflag:s26], $0x4000  }
0xe7: {  	[sflag:s26] =	ssyncset.done $0x0  }
0xe8: {  	[sflag:s26] =	ssyncadd.s32 $0xFFFFC000  }
0xe9: {  	[tilespmem:s20], [sflag:$0x6] =	stream.indirect.gather [hbm4b:s4+s17], $0x80, s21, s17, $0xb8;
	[tilespmem:$0x1C000] =	vst v63  }
.Ltmp2:
0xea: {  	(pc) =	sbr.rel @p0 .LBB2_4-.Ltmp2, $4  }
0xeb: {  	[tilespmem:s16], [sflag:$0x2] =	stream.linear.gather [hbm4b:s7+s3], $0x100, $0x38;
	[tilespmem:$0x1C000] =	vst v63  }
0xec: {  	_ =	swait.ge [sflag:s22], $0x4000  }
0xed: {  	s1 =	sadd.s32 $0x80, s1;
	s0 =	sadd.s32 $0x80, s0;
	[sflag:s22] =	ssyncset.done $0x0  }
0xee: {  	s5 =	sadd.s32 $0x80, s5;
	s7 =	sadd.s32 $0x80, s7;
	[sflag:s22] =	ssyncadd.s32 $0xFFFFC000  }
.LBB2_5:
0xef: {  	[spmem:s2] =	stream.indirect.scatter.add.f32 [tilespmem:s11], [sflag:$0x7], $0x80, s28, s17, $0xb8;
	[tilespmem:$0x1C000] =	vst v63  }
0xf0: {  	_ =	swait.ge [sflag:s24], $0x4000  }
0xf1: {  	[sflag:s24] =	ssyncset.done $0x0  }
0xf2: {  	[sflag:s24] =	ssyncadd.s32 $0xFFFFC000  }
0xf3: {  	[spmem:s2] =	stream.indirect.scatter.add.f32 [tilespmem:s20], [sflag:$0x8], $0x80, s29, s17, $0xb8;
	[tilespmem:$0x1C000] =	vst v63  }
0xf4: {  	_ =	swait.ge [sflag:s23], $0x4000  }
0xf5: {  	[sflag:s23] =	ssyncset.done $0x0  }
0xf6: {  	[sflag:s23] =	ssyncadd.s32 $0xFFFFC000  }
0xf7: {  	_ =	swait.ge [sflag:s26], $0x4000  }
0xf8: {  	[sflag:s26] =	ssyncset.done $0x0  }
0xf9: {  	[sflag:s26] =	ssyncadd.s32 $0xFFFFC000  }
0xfa: {  	_ =	swait.ge [sflag:s12], $0x100  }
0xfb: {  	[sflag:s12] =	ssyncset.done $0x0  }
0xfc: {  	[sflag:s12] =	ssyncadd.s32 $0xFFFFFF00  }
0xfd: {  	_ =	swait.ge [sflag:s13], $0x100  }
0xfe: {  	[sflag:s13] =	ssyncset.done $0x0  }
0xff: {  	s0 =	stileid.u32;
	[sflag:s13] =	ssyncadd.s32 $0xFFFFFF00  }
0x100: {  	s0 =	sshll.u32 s0, $0x6;
	[bflag:$0x0] =	sbarrier.arrive $0xFFFF  }
0x101: {  	s5 =	sshrl.u32 s18, $0x3;
	s1 =	sor.u32 $0x1C01, s0;
	s7 =	rddreg [dreg:$0x6]  }
0x102: {  	[hbm:s7], [sflag:s1] =	dma.local [spmem:s5], $0x500  }
0x103: {  	s7 =	rddreg [dreg:$0x7]  }
0x104: {  	s5 =	sor.u32 $0x1C02, s0;
	s6 =	rddreg [dreg:$0x11]  }
0x105: {  	[hbm:s7], [sflag:s5] =	dma.local [spmem:s6], $0x500  }
0x106: {  	s31 =	smov.u32 s18;
	s18 =	rddreg [dreg:$0x8]  }
0x107: {  	s7 =	sor.u32 $0x1C03, s0;
	s6 =	rddreg [dreg:$0x12]  }
0x108: {  	[hbm:s18], [sflag:s7] =	dma.local [spmem:s6], $0x500  }
0x109: {  	s18 =	rddreg [dreg:$0x9]  }
0x10a: {  	s0 =	sor.u32 $0x1C04, s0;
	s6 =	rddreg [dreg:$0x13]  }
0x10b: {  	[hbm:s18], [sflag:s0] =	dma.local [spmem:s6], $0x500  }
0x10c: {  	s18 =	rddreg [dreg:$0xa]  }
0x10d: {  	s6 =	rddreg [dreg:$0x14]  }
0x10e: {  	[hbm:s18], [sflag:s1] =	dma.local [spmem:s6], $0x500  }
0x10f: {  	s1 =	rddreg [dreg:$0xb]  }
0x110: {  	s6 =	rddreg [dreg:$0x15]  }
0x111: {  	[hbm:s1], [sflag:s5] =	dma.local [spmem:s6], $0x500  }
0x112: {  	s1 =	rddreg [dreg:$0xc]  }
0x113: {  	s5 =	rddreg [dreg:$0x16]  }
0x114: {  	[hbm:s1], [sflag:s7] =	dma.local [spmem:s5], $0x500  }
0x115: {  	s1 =	rddreg [dreg:$0xd]  }
0x116: {  	s5 =	rddreg [dreg:$0x17]  }
0x117: {  	[hbm:s1], [sflag:s0] =	dma.local [spmem:s5], $0x480  }
0x118: {  	_ =	swait.ge [sflag:s12], $0x500  }
0x119: {  	[sflag:s12] =	ssyncset.done $0x0  }
0x11a: {  	[sflag:s12] =	ssyncadd.s32 $0xFFFFFB00  }
0x11b: {  	_ =	swait.ge [sflag:s13], $0x500  }
0x11c: {  	[sflag:s13] =	ssyncset.done $0x0  }
0x11d: {  	[sflag:s13] =	ssyncadd.s32 $0xFFFFFB00  }
0x11e: {  	_ =	swait.ge [sflag:s14], $0x500  }
0x11f: {  	[sflag:s14] =	ssyncset.done $0x0  }
0x120: {  	[sflag:s14] =	ssyncadd.s32 $0xFFFFFB00  }
0x121: {  	_ =	swait.ge [sflag:s15], $0x500  }
0x122: {  	[sflag:s15] =	ssyncset.done $0x0  }
0x123: {  	[sflag:s15] =	ssyncadd.s32 $0xFFFFFB00  }
0x124: {  	_ =	swait.ge [sflag:s12], $0x500  }
0x125: {  	[sflag:s12] =	ssyncset.done $0x0  }
0x126: {  	[sflag:s12] =	ssyncadd.s32 $0xFFFFFB00  }
0x127: {  	_ =	swait.ge [sflag:s13], $0x500  }
0x128: {  	[sflag:s13] =	ssyncset.done $0x0  }
0x129: {  	[sflag:s13] =	ssyncadd.s32 $0xFFFFFB00  }
0x12a: {  	_ =	swait.ge [sflag:s14], $0x500  }
0x12b: {  	[sflag:s14] =	ssyncset.done $0x0  }
0x12c: {  	[sflag:s14] =	ssyncadd.s32 $0xFFFFFB00  }
0x12d: {  	_ =	swait.ge [sflag:s15], $0x480  }
0x12e: {  	s30 =	sadd.s32 $0x1, s30;
	s18 =	rddreg [dreg:$0xf]  }
0x12f: {  	p0 =	sne.s32 s30, s18  }
.Ltmp3:
0x130: {  	_ = 	snop;
	(pc) =	sbr.rel @p0 .LBB2_1-.Ltmp3, $3  }
0x131: {  	_ =	sdelay $0x1  }
0x132: {  	[sflag:s15] =	ssyncset.done $0x0  }
0x133: {  	[sflag:s15] =	ssyncadd.s32 $0xFFFFFB80  }
0x134: {  	_ =	sfence.sel $0x180000  }
0x135: {  	[bflag:$0x0] =	sbarrier.arrive $0xFFFF  }
0x136: {  	_ =	strace $0x90000047  }
0x137: {  	s0 =	stileid.u32;
	[bflag:$0x2] =	sbarrier.arrive $0xFFFF  }
0x138: {  	p0 =	sne.s32 s0, $0x0;
	s0 =	rddreg [dreg:$0x3]  }
0x139: {  	s0 =	sadd.s32 @!p0 $0x100000, s0  }
0x13a: {  	[sflag:s0] =	ssyncadd.tile.s32 @!p0 $0x1;
	_ =	shalt  }
.Lfunc_end2:
_tile_overlayer_lowered:
.L_overlay_start_2:
0x13b: {  	(tag) =	ssettag $0x2  }
0x13c: {  	s0 =	rddreg [dreg:$0x0];
	s2 =	stileid.u32  }
0x13d: {  	s1 =	rddreg [dreg:$0x1];
	p0 =	sne.s32 s2, $0x0  }
0x13e: {  	s3 =	rddreg [dreg:$0x2];
	[bflag:$0x3] =	sbarrier.arrive $0xFFFF;
	s2 =	simm.s32 @!p0 $0x1C09  }
0x13f: {  	[timem:s3], [sflag:s2] =	dma.local @!p0 [hbm:s0], s1  }
0x140: {  	s0 =	simm.s32 @!p0 $0x9  }
0x141: {  	_ =	swait.ge @!p0 [sflag:s0], s1  }
0x142: {  	s1 =	ssub.s32 @!p0 $0x0, s1;
	[sflag:s0] =	ssyncset.done @!p0 $0x0  }
0x143: {  	[sflag:s0] =	ssyncadd.s32 @!p0 s1  }
0x144: {  	[bflag:$0x3] =	sbarrier.arrive $0xFFFF  }
0x145: {  	_ =	shalt  }

</sc_bundles>
